<compile_context>
chip_gen: v7x
topology: tpu7x:2x2x1
jax: 0.10.2.dev20260603
libtpu: 0.0.44.dev20260713+nightly
codegen_flags: <defaults>
</compile_context>

<pallas_src>
import functools

import jax
import jax.numpy as jnp
from jax import lax
from jax.experimental import pallas as pl
from jax.experimental.pallas import tpu as pltpu
from jax.experimental.pallas import tpu_sc as plsc

_NC, _NS = 2, 16
_NW = _NC * _NS


def _make_sc_kernel(B, N, M):
    bpw = B // _NW
    nbuf = 4
    slpad = (N + 31) // 32 * 32
    mesh = plsc.VectorSubcoreMesh(core_axis_name="c", subcore_axis_name="s")

    @functools.partial(
        pl.kernel, mesh=mesh,
        out_type=jax.ShapeDtypeStruct((B, N, M), jnp.int8),
        compiler_params=pltpu.CompilerParams(needs_layout_passes=False),
        scratch_types=[
            pltpu.VMEM((bpw, M), jnp.int32),
            pltpu.VMEM((nbuf * slpad, M), jnp.int8),
            pltpu.SemaphoreType.DMA,
        ],
    )
    def run(idx_hbm, out_hbm, idx_v, slab_v, sem):
        wid = lax.axis_index("s") * _NC + lax.axis_index("c")
        base = wid * bpw
        pltpu.sync_copy(idx_hbm.at[pl.ds(base, bpw)], idx_v)
        slab32 = slab_v.bitcast(jnp.int32)
        lanes = lax.iota(jnp.int32, 16)
        z16 = jnp.zeros((16,), jnp.int32)
        z416 = jnp.zeros((4, 16), jnp.int8)

        def zb(i, c):
            slab_v[pl.ds(4 * (i // 8), 4), pl.ds((i % 8) * 16, 16)] = z416
            return c
        lax.fori_loop(0, (nbuf * slpad // 4) * 8, zb, 0, unroll=8)

        def scat(b, buf, zero):
            def kk(k, c2):
                iv = idx_v[b, pl.ds(k * 16, 16)]
                mm = lanes + k * 16
                s_ = buf * (slpad // 4) + lax.shift_right_logical(iv, 2)
                if zero:
                    plsc.store_scatter(slab32, [s_, mm], z16)
                else:
                    val = lax.shift_left(
                        jnp.int32(1),
                        lax.shift_left(lax.bitwise_and(iv, 3), 3))
                    plsc.store_scatter(slab32, [s_, mm], val)
                return c2
            lax.fori_loop(0, M // 16, kk, 0, unroll=8)

        def bb(b, c):
            buf = lax.rem(b, nbuf)
            @pl.when(b >= nbuf)
            def _():
                pltpu.make_async_copy(
                    slab_v.at[pl.ds(buf * slpad, N)], out_hbm.at[base + b], sem
                ).wait()
                scat(b - nbuf, buf, True)
            scat(b, buf, False)
            pltpu.make_async_copy(
                slab_v.at[pl.ds(buf * slpad, N)], out_hbm.at[base + b], sem
            ).start()
            return c
        lax.fori_loop(0, bpw, bb, 0)

        def dr(i, c):
            pltpu.make_async_copy(
                slab_v.at[pl.ds(0, N)], out_hbm.at[base], sem
            ).wait()
            return c
        lax.fori_loop(0, nbuf, dr, 0)

    return run


def kernel(x, w, idx):
    B, N = x.shape
    M = w.shape[1]
    idx2 = idx.reshape(B, M).astype(jnp.int32)
    out8 = _make_sc_kernel(B, N, M)(idx2)
    return out8.astype(jnp.bool_)

# --- scband reference (transcript-rebuilt; emitter-appended) ---
"""Pipeline reference for scband-fuzzy-comp-loss-2619930051122 (READ-ONLY COPY).

The authoritative reference and input builder live on the scoring server;
editing this copy changes nothing except your own understanding.
"""

import jax, jax.numpy as jnp
import numpy as np


def setup_inputs(seed: int = 0) -> dict:
    key = jax.random.key(seed)
    k1, k2, k3 = jax.random.split(key, 3)
    x = jax.random.normal(k1, (1024, 200), dtype=jnp.float32)
    w = jax.random.normal(k2, (128, 128), dtype=jnp.float32)
    # idx indexes dim 1 (size N=200) of the [B, N, M] chosen tensor
    idx = jax.random.randint(k3, (1024, 1, 128), 0, 200)
    return {"x": x, "w": w, "idx": idx}


def reference(x, w, idx):
    # Faithful translation of FuzzyCompLoss.set_chosen:
    #   chosen = torch.zeros(x.size(0), x.size(1), w.size(1), dtype=torch.bool)
    #   chosen.scatter_(1, idx, 1.0)
    B, N = x.shape
    M = w.shape[1]
    chosen = jnp.zeros((B, N, M), dtype=bool)
    b = jnp.arange(B)[:, None, None]          # [B,1,1]
    m = jnp.arange(M)[None, None, :]          # [1,1,M]
    # scatter-overwrite along dim 1 (torch scatter_ semantics with src scalar 1.0)
    chosen = chosen.at[b, idx, m].set(True)
    return chosen

if __name__ == "__main__":
    import jax
    _d = setup_inputs()
    print(jax.jit(kernel)(*tuple(_d.values())))

</pallas_src>

<mosaic_0001>
#map = affine_map<(d0, d1) -> (0, 0)>
#map1 = affine_map<(d0, d1) -> (0, 0, 0)>
module attributes {stable_mosaic.version = 14 : i64} {
  func.func @run(%arg0: i32, %arg1: i32, %arg2: memref<1024x128xi32, #tpu.memory_space<hbm>>, %arg3: memref<1024x200x128xi8, #tpu.memory_space<hbm>>, %arg4: memref<32x128xi32, #tpu.memory_space<vmem>>, %arg5: memref<896x128xi8, #tpu.memory_space<vmem>>, %arg6: memref<!tpu.dma_semaphore, #tpu.memory_space<semaphore_mem>>) attributes {dimension_semantics = [#tpu.dimension_semantics<core_parallel>, #tpu.dimension_semantics<subcore_parallel>], iteration_bounds = array<i64: 2, 16>, scalar_prefetch = 0 : i64, scratch_operands = 3 : i64, tpu.core_type = #tpu.core_type<sc_vector_subcore>, window_params = [{transform_indices = #map}, {transform_indices = #map1}]} {
    %mul3A = arith.constant 2 : i32
    %mul3A_0 = arith.muli %arg1, %mul3A : i32
    %add3A = arith.addi %mul3A_0, %arg0 : i32
    %mul3A_1 = arith.constant 32 : i32
    %mul3A_2 = arith.muli %add3A, %mul3A_1 : i32
    "tpu.region"() ({
      %run_scoped3A = tpu.sem_alloc : memref<!tpu.dma_semaphore, #tpu.memory_space<semaphore_mem>>
      %dma_start3A = arith.constant 0 : i32
      %dma_start3A_23 = tpu.memref_slice %arg2[%mul3A_2, %dma_start3A] : memref<1024x128xi32, #tpu.memory_space<hbm>> -> memref<32x128xi32, #tpu.memory_space<hbm>>
      %dma_start3A_24 = arith.constant 0 : i32
      %dma_start3A_25 = tpu.memref_slice %arg2[%mul3A_2, %dma_start3A_24] : memref<1024x128xi32, #tpu.memory_space<hbm>> -> memref<32x128xi32, #tpu.memory_space<hbm>>
      tpu.enqueue_dma source(%dma_start3A_25 : memref<32x128xi32, #tpu.memory_space<hbm>>) target(%arg4 : memref<32x128xi32, #tpu.memory_space<vmem>>) target_semaphore(%run_scoped3A : memref<!tpu.dma_semaphore, #tpu.memory_space<semaphore_mem>>)
      %dma_wait3A = arith.constant 0 : i32
      %dma_wait3A_26 = tpu.memref_slice %arg2[%mul3A_2, %dma_wait3A] : memref<1024x128xi32, #tpu.memory_space<hbm>> -> memref<32x128xi32, #tpu.memory_space<hbm>>
      %dma_wait3A_27 = arith.constant 0 : i32
      %dma_wait3A_28 = tpu.memref_slice %arg2[%mul3A_2, %dma_wait3A_27] : memref<1024x128xi32, #tpu.memory_space<hbm>> -> memref<32x128xi32, #tpu.memory_space<hbm>>
      tpu.wait_dma2 semaphore(%run_scoped3A : memref<!tpu.dma_semaphore, #tpu.memory_space<semaphore_mem>>) src(%dma_wait3A_28 : memref<32x128xi32, #tpu.memory_space<hbm>>) dst(%arg4 : memref<32x128xi32, #tpu.memory_space<vmem>>)
      tpu.yield
    }) : () -> ()
    %iota3A = tpu.iota {dimensions = array<i32: 0>} : vector<16xi32>
    %broadcast_in_dim3A = arith.constant 0 : i32
    %broadcast_in_dim3A_3 = vector.broadcast %broadcast_in_dim3A : i32 to vector<16xi32>
    %broadcast_in_dim3A_4 = arith.constant 0 : i8
    %broadcast_in_dim3A_5 = vector.broadcast %broadcast_in_dim3A_4 : i8 to vector<4x16xi8>
    %scan3A = arith.constant 0 : i32
    %scan3A_6 = arith.constant 0 : i32
    %scan3A_7 = arith.constant 1792 : i32
    %scan3A_8 = arith.addi %scan3A_6, %scan3A_7 : i32
    %scan3A_9 = arith.constant 8 : i32
    scf.for %scan3A_23 = %scan3A_6 to %scan3A_8 step %scan3A_9  : i32 {
      %jit3A = arith.constant 8 : i32
      %div3A = arith.divsi %scan3A_23, %jit3A : i32
      %sign3A = arith.constant 0 : i32
      %sign3A_24 = arith.cmpi sgt, %scan3A_23, %sign3A : i32
      %sign3A_25 = arith.extui %sign3A_24 : i1 to i32
      %sign3A_26 = arith.constant 0 : i32
      %sign3A_27 = arith.cmpi slt, %scan3A_23, %sign3A_26 : i32
      %sign3A_28 = arith.extui %sign3A_27 : i1 to i32
      %sign3A_29 = arith.subi %sign3A_25, %sign3A_28 : i32
      %sign3A_30 = arith.constant 0 : i32
      %sign3A_31 = arith.cmpi sgt, %jit3A, %sign3A_30 : i32
      %sign3A_32 = arith.extui %sign3A_31 : i1 to i32
      %sign3A_33 = arith.constant 0 : i32
      %sign3A_34 = arith.cmpi slt, %jit3A, %sign3A_33 : i32
      %sign3A_35 = arith.extui %sign3A_34 : i1 to i32
      %sign3A_36 = arith.subi %sign3A_32, %sign3A_35 : i32
      %ne3A = arith.cmpi ne, %sign3A_29, %sign3A_36 : i32
      %rem3A = arith.remsi %scan3A_23, %jit3A : i32
      %ne3A_37 = arith.constant 0 : i32
      %ne3A_38 = arith.cmpi ne, %rem3A, %ne3A_37 : i32
      %and3A = arith.andi %ne3A, %ne3A_38 : i1
      %sub3A = arith.constant 1 : i32
      %sub3A_39 = arith.subi %div3A, %sub3A : i32
      %select_n3A = arith.select %and3A, %sub3A_39, %div3A : i32
      %mul3A_40 = arith.constant 4 : i32
      %mul3A_41 = arith.muli %mul3A_40, %select_n3A : i32
      %jit3A_42 = arith.constant 8 : i32
      %eq3A = arith.constant 0 : i32
      %eq3A_43 = arith.cmpi eq, %jit3A_42, %eq3A : i32
      %jit3A_44 = arith.constant 1 : i32
      %select_n3A_45 = arith.select %eq3A_43, %jit3A_44, %jit3A_42 : i32
      %rem3A_46 = arith.remsi %scan3A_23, %select_n3A_45 : i32
      %ne3A_47 = arith.constant 0 : i32
      %ne3A_48 = arith.cmpi ne, %rem3A_46, %ne3A_47 : i32
      %lt3A = arith.constant 0 : i32
      %lt3A_49 = arith.cmpi slt, %rem3A_46, %lt3A : i32
      %lt3A_50 = arith.constant 0 : i32
      %lt3A_51 = arith.cmpi slt, %select_n3A_45, %lt3A_50 : i32
      %ne3A_52 = arith.xori %lt3A_49, %lt3A_51 : i1
      %and3A_53 = arith.andi %ne3A_52, %ne3A_48 : i1
      %add3A_54 = arith.addi %rem3A_46, %select_n3A_45 : i32
      %select_n3A_55 = arith.select %and3A_53, %add3A_54, %rem3A_46 : i32
      %mul3A_56 = arith.constant 16 : i32
      %mul3A_57 = arith.muli %select_n3A_55, %mul3A_56 : i32
      %swap3A = arith.index_cast %mul3A_41 : i32 to index
      %swap3A_58 = arith.index_cast %mul3A_57 : i32 to index
      %swap3A_59 = tpu.vector_load %arg5[%swap3A, %swap3A_58] {strides = array<i32>} : memref<896x128xi8, #tpu.memory_space<vmem>>, vector<4x16xi8>,
      tpu.vector_store %arg5[%swap3A, %swap3A_58], %broadcast_in_dim3A_5 {strides = array<i32>} : memref<896x128xi8, #tpu.memory_space<vmem>>, vector<4x16xi8>,
      %scan3A_60 = arith.constant 1 : i32
      %scan3A_61 = arith.addi %scan3A_23, %scan3A_60 : i32
      %jit3A_62 = arith.constant 8 : i32
      %div3A_63 = arith.divsi %scan3A_61, %jit3A_62 : i32
      %sign3A_64 = arith.constant 0 : i32
      %sign3A_65 = arith.cmpi sgt, %scan3A_61, %sign3A_64 : i32
      %sign3A_66 = arith.extui %sign3A_65 : i1 to i32
      %sign3A_67 = arith.constant 0 : i32
      %sign3A_68 = arith.cmpi slt, %scan3A_61, %sign3A_67 : i32
      %sign3A_69 = arith.extui %sign3A_68 : i1 to i32
      %sign3A_70 = arith.subi %sign3A_66, %sign3A_69 : i32
      %sign3A_71 = arith.constant 0 : i32
      %sign3A_72 = arith.cmpi sgt, %jit3A_62, %sign3A_71 : i32
      %sign3A_73 = arith.extui %sign3A_72 : i1 to i32
      %sign3A_74 = arith.constant 0 : i32
      %sign3A_75 = arith.cmpi slt, %jit3A_62, %sign3A_74 : i32
      %sign3A_76 = arith.extui %sign3A_75 : i1 to i32
      %sign3A_77 = arith.subi %sign3A_73, %sign3A_76 : i32
      %ne3A_78 = arith.cmpi ne, %sign3A_70, %sign3A_77 : i32
      %rem3A_79 = arith.remsi %scan3A_61, %jit3A_62 : i32
      %ne3A_80 = arith.constant 0 : i32
      %ne3A_81 = arith.cmpi ne, %rem3A_79, %ne3A_80 : i32
      %and3A_82 = arith.andi %ne3A_78, %ne3A_81 : i1
      %sub3A_83 = arith.constant 1 : i32
      %sub3A_84 = arith.subi %div3A_63, %sub3A_83 : i32
      %select_n3A_85 = arith.select %and3A_82, %sub3A_84, %div3A_63 : i32
      %mul3A_86 = arith.constant 4 : i32
      %mul3A_87 = arith.muli %mul3A_86, %select_n3A_85 : i32
      %jit3A_88 = arith.constant 8 : i32
      %eq3A_89 = arith.constant 0 : i32
      %eq3A_90 = arith.cmpi eq, %jit3A_88, %eq3A_89 : i32
      %jit3A_91 = arith.constant 1 : i32
      %select_n3A_92 = arith.select %eq3A_90, %jit3A_91, %jit3A_88 : i32
      %rem3A_93 = arith.remsi %scan3A_61, %select_n3A_92 : i32
      %ne3A_94 = arith.constant 0 : i32
      %ne3A_95 = arith.cmpi ne, %rem3A_93, %ne3A_94 : i32
      %lt3A_96 = arith.constant 0 : i32
      %lt3A_97 = arith.cmpi slt, %rem3A_93, %lt3A_96 : i32
      %lt3A_98 = arith.constant 0 : i32
      %lt3A_99 = arith.cmpi slt, %select_n3A_92, %lt3A_98 : i32
      %ne3A_100 = arith.xori %lt3A_97, %lt3A_99 : i1
      %and3A_101 = arith.andi %ne3A_100, %ne3A_95 : i1
      %add3A_102 = arith.addi %rem3A_93, %select_n3A_92 : i32
      %select_n3A_103 = arith.select %and3A_101, %add3A_102, %rem3A_93 : i32
      %mul3A_104 = arith.constant 16 : i32
      %mul3A_105 = arith.muli %select_n3A_103, %mul3A_104 : i32
      %swap3A_106 = arith.index_cast %mul3A_87 : i32 to index
      %swap3A_107 = arith.index_cast %mul3A_105 : i32 to index
      %swap3A_108 = tpu.vector_load %arg5[%swap3A_106, %swap3A_107] {strides = array<i32>} : memref<896x128xi8, #tpu.memory_space<vmem>>, vector<4x16xi8>,
      tpu.vector_store %arg5[%swap3A_106, %swap3A_107], %broadcast_in_dim3A_5 {strides = array<i32>} : memref<896x128xi8, #tpu.memory_space<vmem>>, vector<4x16xi8>,
      %scan3A_109 = arith.constant 2 : i32
      %scan3A_110 = arith.addi %scan3A_23, %scan3A_109 : i32
      %jit3A_111 = arith.constant 8 : i32
      %div3A_112 = arith.divsi %scan3A_110, %jit3A_111 : i32
      %sign3A_113 = arith.constant 0 : i32
      %sign3A_114 = arith.cmpi sgt, %scan3A_110, %sign3A_113 : i32
      %sign3A_115 = arith.extui %sign3A_114 : i1 to i32
      %sign3A_116 = arith.constant 0 : i32
      %sign3A_117 = arith.cmpi slt, %scan3A_110, %sign3A_116 : i32
      %sign3A_118 = arith.extui %sign3A_117 : i1 to i32
      %sign3A_119 = arith.subi %sign3A_115, %sign3A_118 : i32
      %sign3A_120 = arith.constant 0 : i32
      %sign3A_121 = arith.cmpi sgt, %jit3A_111, %sign3A_120 : i32
      %sign3A_122 = arith.extui %sign3A_121 : i1 to i32
      %sign3A_123 = arith.constant 0 : i32
      %sign3A_124 = arith.cmpi slt, %jit3A_111, %sign3A_123 : i32
      %sign3A_125 = arith.extui %sign3A_124 : i1 to i32
      %sign3A_126 = arith.subi %sign3A_122, %sign3A_125 : i32
      %ne3A_127 = arith.cmpi ne, %sign3A_119, %sign3A_126 : i32
      %rem3A_128 = arith.remsi %scan3A_110, %jit3A_111 : i32
      %ne3A_129 = arith.constant 0 : i32
      %ne3A_130 = arith.cmpi ne, %rem3A_128, %ne3A_129 : i32
      %and3A_131 = arith.andi %ne3A_127, %ne3A_130 : i1
      %sub3A_132 = arith.constant 1 : i32
      %sub3A_133 = arith.subi %div3A_112, %sub3A_132 : i32
      %select_n3A_134 = arith.select %and3A_131, %sub3A_133, %div3A_112 : i32
      %mul3A_135 = arith.constant 4 : i32
      %mul3A_136 = arith.muli %mul3A_135, %select_n3A_134 : i32
      %jit3A_137 = arith.constant 8 : i32
      %eq3A_138 = arith.constant 0 : i32
      %eq3A_139 = arith.cmpi eq, %jit3A_137, %eq3A_138 : i32
      %jit3A_140 = arith.constant 1 : i32
      %select_n3A_141 = arith.select %eq3A_139, %jit3A_140, %jit3A_137 : i32
      %rem3A_142 = arith.remsi %scan3A_110, %select_n3A_141 : i32
      %ne3A_143 = arith.constant 0 : i32
      %ne3A_144 = arith.cmpi ne, %rem3A_142, %ne3A_143 : i32
      %lt3A_145 = arith.constant 0 : i32
      %lt3A_146 = arith.cmpi slt, %rem3A_142, %lt3A_145 : i32
      %lt3A_147 = arith.constant 0 : i32
      %lt3A_148 = arith.cmpi slt, %select_n3A_141, %lt3A_147 : i32
      %ne3A_149 = arith.xori %lt3A_146, %lt3A_148 : i1
      %and3A_150 = arith.andi %ne3A_149, %ne3A_144 : i1
      %add3A_151 = arith.addi %rem3A_142, %select_n3A_141 : i32
      %select_n3A_152 = arith.select %and3A_150, %add3A_151, %rem3A_142 : i32
      %mul3A_153 = arith.constant 16 : i32
      %mul3A_154 = arith.muli %select_n3A_152, %mul3A_153 : i32
      %swap3A_155 = arith.index_cast %mul3A_136 : i32 to index
      %swap3A_156 = arith.index_cast %mul3A_154 : i32 to index
      %swap3A_157 = tpu.vector_load %arg5[%swap3A_155, %swap3A_156] {strides = array<i32>} : memref<896x128xi8, #tpu.memory_space<vmem>>, vector<4x16xi8>,
      tpu.vector_store %arg5[%swap3A_155, %swap3A_156], %broadcast_in_dim3A_5 {strides = array<i32>} : memref<896x128xi8, #tpu.memory_space<vmem>>, vector<4x16xi8>,
      %scan3A_158 = arith.constant 3 : i32
      %scan3A_159 = arith.addi %scan3A_23, %scan3A_158 : i32
      %jit3A_160 = arith.constant 8 : i32
      %div3A_161 = arith.divsi %scan3A_159, %jit3A_160 : i32
      %sign3A_162 = arith.constant 0 : i32
      %sign3A_163 = arith.cmpi sgt, %scan3A_159, %sign3A_162 : i32
      %sign3A_164 = arith.extui %sign3A_163 : i1 to i32
      %sign3A_165 = arith.constant 0 : i32
      %sign3A_166 = arith.cmpi slt, %scan3A_159, %sign3A_165 : i32
      %sign3A_167 = arith.extui %sign3A_166 : i1 to i32
      %sign3A_168 = arith.subi %sign3A_164, %sign3A_167 : i32
      %sign3A_169 = arith.constant 0 : i32
      %sign3A_170 = arith.cmpi sgt, %jit3A_160, %sign3A_169 : i32
      %sign3A_171 = arith.extui %sign3A_170 : i1 to i32
      %sign3A_172 = arith.constant 0 : i32
      %sign3A_173 = arith.cmpi slt, %jit3A_160, %sign3A_172 : i32
      %sign3A_174 = arith.extui %sign3A_173 : i1 to i32
      %sign3A_175 = arith.subi %sign3A_171, %sign3A_174 : i32
      %ne3A_176 = arith.cmpi ne, %sign3A_168, %sign3A_175 : i32
      %rem3A_177 = arith.remsi %scan3A_159, %jit3A_160 : i32
      %ne3A_178 = arith.constant 0 : i32
      %ne3A_179 = arith.cmpi ne, %rem3A_177, %ne3A_178 : i32
      %and3A_180 = arith.andi %ne3A_176, %ne3A_179 : i1
      %sub3A_181 = arith.constant 1 : i32
      %sub3A_182 = arith.subi %div3A_161, %sub3A_181 : i32
      %select_n3A_183 = arith.select %and3A_180, %sub3A_182, %div3A_161 : i32
      %mul3A_184 = arith.constant 4 : i32
      %mul3A_185 = arith.muli %mul3A_184, %select_n3A_183 : i32
      %jit3A_186 = arith.constant 8 : i32
      %eq3A_187 = arith.constant 0 : i32
      %eq3A_188 = arith.cmpi eq, %jit3A_186, %eq3A_187 : i32
      %jit3A_189 = arith.constant 1 : i32
      %select_n3A_190 = arith.select %eq3A_188, %jit3A_189, %jit3A_186 : i32
      %rem3A_191 = arith.remsi %scan3A_159, %select_n3A_190 : i32
      %ne3A_192 = arith.constant 0 : i32
      %ne3A_193 = arith.cmpi ne, %rem3A_191, %ne3A_192 : i32
      %lt3A_194 = arith.constant 0 : i32
      %lt3A_195 = arith.cmpi slt, %rem3A_191, %lt3A_194 : i32
      %lt3A_196 = arith.constant 0 : i32
      %lt3A_197 = arith.cmpi slt, %select_n3A_190, %lt3A_196 : i32
      %ne3A_198 = arith.xori %lt3A_195, %lt3A_197 : i1
      %and3A_199 = arith.andi %ne3A_198, %ne3A_193 : i1
      %add3A_200 = arith.addi %rem3A_191, %select_n3A_190 : i32
      %select_n3A_201 = arith.select %and3A_199, %add3A_200, %rem3A_191 : i32
      %mul3A_202 = arith.constant 16 : i32
      %mul3A_203 = arith.muli %select_n3A_201, %mul3A_202 : i32
      %swap3A_204 = arith.index_cast %mul3A_185 : i32 to index
      %swap3A_205 = arith.index_cast %mul3A_203 : i32 to index
      %swap3A_206 = tpu.vector_load %arg5[%swap3A_204, %swap3A_205] {strides = array<i32>} : memref<896x128xi8, #tpu.memory_space<vmem>>, vector<4x16xi8>,
      tpu.vector_store %arg5[%swap3A_204, %swap3A_205], %broadcast_in_dim3A_5 {strides = array<i32>} : memref<896x128xi8, #tpu.memory_space<vmem>>, vector<4x16xi8>,
      %scan3A_207 = arith.constant 4 : i32
      %scan3A_208 = arith.addi %scan3A_23, %scan3A_207 : i32
      %jit3A_209 = arith.constant 8 : i32
      %div3A_210 = arith.divsi %scan3A_208, %jit3A_209 : i32
      %sign3A_211 = arith.constant 0 : i32
      %sign3A_212 = arith.cmpi sgt, %scan3A_208, %sign3A_211 : i32
      %sign3A_213 = arith.extui %sign3A_212 : i1 to i32
      %sign3A_214 = arith.constant 0 : i32
      %sign3A_215 = arith.cmpi slt, %scan3A_208, %sign3A_214 : i32
      %sign3A_216 = arith.extui %sign3A_215 : i1 to i32
      %sign3A_217 = arith.subi %sign3A_213, %sign3A_216 : i32
      %sign3A_218 = arith.constant 0 : i32
      %sign3A_219 = arith.cmpi sgt, %jit3A_209, %sign3A_218 : i32
      %sign3A_220 = arith.extui %sign3A_219 : i1 to i32
      %sign3A_221 = arith.constant 0 : i32
      %sign3A_222 = arith.cmpi slt, %jit3A_209, %sign3A_221 : i32
      %sign3A_223 = arith.extui %sign3A_222 : i1 to i32
      %sign3A_224 = arith.subi %sign3A_220, %sign3A_223 : i32
      %ne3A_225 = arith.cmpi ne, %sign3A_217, %sign3A_224 : i32
      %rem3A_226 = arith.remsi %scan3A_208, %jit3A_209 : i32
      %ne3A_227 = arith.constant 0 : i32
      %ne3A_228 = arith.cmpi ne, %rem3A_226, %ne3A_227 : i32
      %and3A_229 = arith.andi %ne3A_225, %ne3A_228 : i1
      %sub3A_230 = arith.constant 1 : i32
      %sub3A_231 = arith.subi %div3A_210, %sub3A_230 : i32
      %select_n3A_232 = arith.select %and3A_229, %sub3A_231, %div3A_210 : i32
      %mul3A_233 = arith.constant 4 : i32
      %mul3A_234 = arith.muli %mul3A_233, %select_n3A_232 : i32
      %jit3A_235 = arith.constant 8 : i32
      %eq3A_236 = arith.constant 0 : i32
      %eq3A_237 = arith.cmpi eq, %jit3A_235, %eq3A_236 : i32
      %jit3A_238 = arith.constant 1 : i32
      %select_n3A_239 = arith.select %eq3A_237, %jit3A_238, %jit3A_235 : i32
      %rem3A_240 = arith.remsi %scan3A_208, %select_n3A_239 : i32
      %ne3A_241 = arith.constant 0 : i32
      %ne3A_242 = arith.cmpi ne, %rem3A_240, %ne3A_241 : i32
      %lt3A_243 = arith.constant 0 : i32
      %lt3A_244 = arith.cmpi slt, %rem3A_240, %lt3A_243 : i32
      %lt3A_245 = arith.constant 0 : i32
      %lt3A_246 = arith.cmpi slt, %select_n3A_239, %lt3A_245 : i32
      %ne3A_247 = arith.xori %lt3A_244, %lt3A_246 : i1
      %and3A_248 = arith.andi %ne3A_247, %ne3A_242 : i1
      %add3A_249 = arith.addi %rem3A_240, %select_n3A_239 : i32
      %select_n3A_250 = arith.select %and3A_248, %add3A_249, %rem3A_240 : i32
      %mul3A_251 = arith.constant 16 : i32
      %mul3A_252 = arith.muli %select_n3A_250, %mul3A_251 : i32
      %swap3A_253 = arith.index_cast %mul3A_234 : i32 to index
      %swap3A_254 = arith.index_cast %mul3A_252 : i32 to index
      %swap3A_255 = tpu.vector_load %arg5[%swap3A_253, %swap3A_254] {strides = array<i32>} : memref<896x128xi8, #tpu.memory_space<vmem>>, vector<4x16xi8>,
      tpu.vector_store %arg5[%swap3A_253, %swap3A_254], %broadcast_in_dim3A_5 {strides = array<i32>} : memref<896x128xi8, #tpu.memory_space<vmem>>, vector<4x16xi8>,
      %scan3A_256 = arith.constant 5 : i32
      %scan3A_257 = arith.addi %scan3A_23, %scan3A_256 : i32
      %jit3A_258 = arith.constant 8 : i32
      %div3A_259 = arith.divsi %scan3A_257, %jit3A_258 : i32
      %sign3A_260 = arith.constant 0 : i32
      %sign3A_261 = arith.cmpi sgt, %scan3A_257, %sign3A_260 : i32
      %sign3A_262 = arith.extui %sign3A_261 : i1 to i32
      %sign3A_263 = arith.constant 0 : i32
      %sign3A_264 = arith.cmpi slt, %scan3A_257, %sign3A_263 : i32
      %sign3A_265 = arith.extui %sign3A_264 : i1 to i32
      %sign3A_266 = arith.subi %sign3A_262, %sign3A_265 : i32
      %sign3A_267 = arith.constant 0 : i32
      %sign3A_268 = arith.cmpi sgt, %jit3A_258, %sign3A_267 : i32
      %sign3A_269 = arith.extui %sign3A_268 : i1 to i32
      %sign3A_270 = arith.constant 0 : i32
      %sign3A_271 = arith.cmpi slt, %jit3A_258, %sign3A_270 : i32
      %sign3A_272 = arith.extui %sign3A_271 : i1 to i32
      %sign3A_273 = arith.subi %sign3A_269, %sign3A_272 : i32
      %ne3A_274 = arith.cmpi ne, %sign3A_266, %sign3A_273 : i32
      %rem3A_275 = arith.remsi %scan3A_257, %jit3A_258 : i32
      %ne3A_276 = arith.constant 0 : i32
      %ne3A_277 = arith.cmpi ne, %rem3A_275, %ne3A_276 : i32
      %and3A_278 = arith.andi %ne3A_274, %ne3A_277 : i1
      %sub3A_279 = arith.constant 1 : i32
      %sub3A_280 = arith.subi %div3A_259, %sub3A_279 : i32
      %select_n3A_281 = arith.select %and3A_278, %sub3A_280, %div3A_259 : i32
      %mul3A_282 = arith.constant 4 : i32
      %mul3A_283 = arith.muli %mul3A_282, %select_n3A_281 : i32
      %jit3A_284 = arith.constant 8 : i32
      %eq3A_285 = arith.constant 0 : i32
      %eq3A_286 = arith.cmpi eq, %jit3A_284, %eq3A_285 : i32
      %jit3A_287 = arith.constant 1 : i32
      %select_n3A_288 = arith.select %eq3A_286, %jit3A_287, %jit3A_284 : i32
      %rem3A_289 = arith.remsi %scan3A_257, %select_n3A_288 : i32
      %ne3A_290 = arith.constant 0 : i32
      %ne3A_291 = arith.cmpi ne, %rem3A_289, %ne3A_290 : i32
      %lt3A_292 = arith.constant 0 : i32
      %lt3A_293 = arith.cmpi slt, %rem3A_289, %lt3A_292 : i32
      %lt3A_294 = arith.constant 0 : i32
      %lt3A_295 = arith.cmpi slt, %select_n3A_288, %lt3A_294 : i32
      %ne3A_296 = arith.xori %lt3A_293, %lt3A_295 : i1
      %and3A_297 = arith.andi %ne3A_296, %ne3A_291 : i1
      %add3A_298 = arith.addi %rem3A_289, %select_n3A_288 : i32
      %select_n3A_299 = arith.select %and3A_297, %add3A_298, %rem3A_289 : i32
      %mul3A_300 = arith.constant 16 : i32
      %mul3A_301 = arith.muli %select_n3A_299, %mul3A_300 : i32
      %swap3A_302 = arith.index_cast %mul3A_283 : i32 to index
      %swap3A_303 = arith.index_cast %mul3A_301 : i32 to index
      %swap3A_304 = tpu.vector_load %arg5[%swap3A_302, %swap3A_303] {strides = array<i32>} : memref<896x128xi8, #tpu.memory_space<vmem>>, vector<4x16xi8>,
      tpu.vector_store %arg5[%swap3A_302, %swap3A_303], %broadcast_in_dim3A_5 {strides = array<i32>} : memref<896x128xi8, #tpu.memory_space<vmem>>, vector<4x16xi8>,
      %scan3A_305 = arith.constant 6 : i32
      %scan3A_306 = arith.addi %scan3A_23, %scan3A_305 : i32
      %jit3A_307 = arith.constant 8 : i32
      %div3A_308 = arith.divsi %scan3A_306, %jit3A_307 : i32
      %sign3A_309 = arith.constant 0 : i32
      %sign3A_310 = arith.cmpi sgt, %scan3A_306, %sign3A_309 : i32
      %sign3A_311 = arith.extui %sign3A_310 : i1 to i32
      %sign3A_312 = arith.constant 0 : i32
      %sign3A_313 = arith.cmpi slt, %scan3A_306, %sign3A_312 : i32
      %sign3A_314 = arith.extui %sign3A_313 : i1 to i32
      %sign3A_315 = arith.subi %sign3A_311, %sign3A_314 : i32
      %sign3A_316 = arith.constant 0 : i32
      %sign3A_317 = arith.cmpi sgt, %jit3A_307, %sign3A_316 : i32
      %sign3A_318 = arith.extui %sign3A_317 : i1 to i32
      %sign3A_319 = arith.constant 0 : i32
      %sign3A_320 = arith.cmpi slt, %jit3A_307, %sign3A_319 : i32
      %sign3A_321 = arith.extui %sign3A_320 : i1 to i32
      %sign3A_322 = arith.subi %sign3A_318, %sign3A_321 : i32
      %ne3A_323 = arith.cmpi ne, %sign3A_315, %sign3A_322 : i32
      %rem3A_324 = arith.remsi %scan3A_306, %jit3A_307 : i32
      %ne3A_325 = arith.constant 0 : i32
      %ne3A_326 = arith.cmpi ne, %rem3A_324, %ne3A_325 : i32
      %and3A_327 = arith.andi %ne3A_323, %ne3A_326 : i1
      %sub3A_328 = arith.constant 1 : i32
      %sub3A_329 = arith.subi %div3A_308, %sub3A_328 : i32
      %select_n3A_330 = arith.select %and3A_327, %sub3A_329, %div3A_308 : i32
      %mul3A_331 = arith.constant 4 : i32
      %mul3A_332 = arith.muli %mul3A_331, %select_n3A_330 : i32
      %jit3A_333 = arith.constant 8 : i32
      %eq3A_334 = arith.constant 0 : i32
      %eq3A_335 = arith.cmpi eq, %jit3A_333, %eq3A_334 : i32
      %jit3A_336 = arith.constant 1 : i32
      %select_n3A_337 = arith.select %eq3A_335, %jit3A_336, %jit3A_333 : i32
      %rem3A_338 = arith.remsi %scan3A_306, %select_n3A_337 : i32
      %ne3A_339 = arith.constant 0 : i32
      %ne3A_340 = arith.cmpi ne, %rem3A_338, %ne3A_339 : i32
      %lt3A_341 = arith.constant 0 : i32
      %lt3A_342 = arith.cmpi slt, %rem3A_338, %lt3A_341 : i32
      %lt3A_343 = arith.constant 0 : i32
      %lt3A_344 = arith.cmpi slt, %select_n3A_337, %lt3A_343 : i32
      %ne3A_345 = arith.xori %lt3A_342, %lt3A_344 : i1
      %and3A_346 = arith.andi %ne3A_345, %ne3A_340 : i1
      %add3A_347 = arith.addi %rem3A_338, %select_n3A_337 : i32
      %select_n3A_348 = arith.select %and3A_346, %add3A_347, %rem3A_338 : i32
      %mul3A_349 = arith.constant 16 : i32
      %mul3A_350 = arith.muli %select_n3A_348, %mul3A_349 : i32
      %swap3A_351 = arith.index_cast %mul3A_332 : i32 to index
      %swap3A_352 = arith.index_cast %mul3A_350 : i32 to index
      %swap3A_353 = tpu.vector_load %arg5[%swap3A_351, %swap3A_352] {strides = array<i32>} : memref<896x128xi8, #tpu.memory_space<vmem>>, vector<4x16xi8>,
      tpu.vector_store %arg5[%swap3A_351, %swap3A_352], %broadcast_in_dim3A_5 {strides = array<i32>} : memref<896x128xi8, #tpu.memory_space<vmem>>, vector<4x16xi8>,
      %scan3A_354 = arith.constant 7 : i32
      %scan3A_355 = arith.addi %scan3A_23, %scan3A_354 : i32
      %jit3A_356 = arith.constant 8 : i32
      %div3A_357 = arith.divsi %scan3A_355, %jit3A_356 : i32
      %sign3A_358 = arith.constant 0 : i32
      %sign3A_359 = arith.cmpi sgt, %scan3A_355, %sign3A_358 : i32
      %sign3A_360 = arith.extui %sign3A_359 : i1 to i32
      %sign3A_361 = arith.constant 0 : i32
      %sign3A_362 = arith.cmpi slt, %scan3A_355, %sign3A_361 : i32
      %sign3A_363 = arith.extui %sign3A_362 : i1 to i32
      %sign3A_364 = arith.subi %sign3A_360, %sign3A_363 : i32
      %sign3A_365 = arith.constant 0 : i32
      %sign3A_366 = arith.cmpi sgt, %jit3A_356, %sign3A_365 : i32
      %sign3A_367 = arith.extui %sign3A_366 : i1 to i32
      %sign3A_368 = arith.constant 0 : i32
      %sign3A_369 = arith.cmpi slt, %jit3A_356, %sign3A_368 : i32
      %sign3A_370 = arith.extui %sign3A_369 : i1 to i32
      %sign3A_371 = arith.subi %sign3A_367, %sign3A_370 : i32
      %ne3A_372 = arith.cmpi ne, %sign3A_364, %sign3A_371 : i32
      %rem3A_373 = arith.remsi %scan3A_355, %jit3A_356 : i32
      %ne3A_374 = arith.constant 0 : i32
      %ne3A_375 = arith.cmpi ne, %rem3A_373, %ne3A_374 : i32
      %and3A_376 = arith.andi %ne3A_372, %ne3A_375 : i1
      %sub3A_377 = arith.constant 1 : i32
      %sub3A_378 = arith.subi %div3A_357, %sub3A_377 : i32
      %select_n3A_379 = arith.select %and3A_376, %sub3A_378, %div3A_357 : i32
      %mul3A_380 = arith.constant 4 : i32
      %mul3A_381 = arith.muli %mul3A_380, %select_n3A_379 : i32
      %jit3A_382 = arith.constant 8 : i32
      %eq3A_383 = arith.constant 0 : i32
      %eq3A_384 = arith.cmpi eq, %jit3A_382, %eq3A_383 : i32
      %jit3A_385 = arith.constant 1 : i32
      %select_n3A_386 = arith.select %eq3A_384, %jit3A_385, %jit3A_382 : i32
      %rem3A_387 = arith.remsi %scan3A_355, %select_n3A_386 : i32
      %ne3A_388 = arith.constant 0 : i32
      %ne3A_389 = arith.cmpi ne, %rem3A_387, %ne3A_388 : i32
      %lt3A_390 = arith.constant 0 : i32
      %lt3A_391 = arith.cmpi slt, %rem3A_387, %lt3A_390 : i32
      %lt3A_392 = arith.constant 0 : i32
      %lt3A_393 = arith.cmpi slt, %select_n3A_386, %lt3A_392 : i32
      %ne3A_394 = arith.xori %lt3A_391, %lt3A_393 : i1
      %and3A_395 = arith.andi %ne3A_394, %ne3A_389 : i1
      %add3A_396 = arith.addi %rem3A_387, %select_n3A_386 : i32
      %select_n3A_397 = arith.select %and3A_395, %add3A_396, %rem3A_387 : i32
      %mul3A_398 = arith.constant 16 : i32
      %mul3A_399 = arith.muli %select_n3A_397, %mul3A_398 : i32
      %swap3A_400 = arith.index_cast %mul3A_381 : i32 to index
      %swap3A_401 = arith.index_cast %mul3A_399 : i32 to index
      %swap3A_402 = tpu.vector_load %arg5[%swap3A_400, %swap3A_401] {strides = array<i32>} : memref<896x128xi8, #tpu.memory_space<vmem>>, vector<4x16xi8>,
      tpu.vector_store %arg5[%swap3A_400, %swap3A_401], %broadcast_in_dim3A_5 {strides = array<i32>} : memref<896x128xi8, #tpu.memory_space<vmem>>, vector<4x16xi8>,
    }
    %scan3A_10 = arith.constant 1792 : i32
    %scan3A_11 = arith.constant 0 : i32
    %scan3A_12 = arith.constant 0 : i32
    %scan3A_13 = arith.constant 32 : i32
    %scan3A_14 = arith.addi %scan3A_12, %scan3A_13 : i32
    %scan3A_15 = arith.constant 1 : i32
    scf.for %scan3A_23 = %scan3A_12 to %scan3A_14 step %scan3A_15  : i32 {
      %rem3A = arith.constant 4 : i32
      %rem3A_24 = arith.remsi %scan3A_23, %rem3A : i32
      %ge3A = arith.constant 4 : i32
      %ge3A_25 = arith.cmpi sge, %scan3A_23, %ge3A : i32
      %convert_element_type3A = arith.extui %ge3A_25 : i1 to i32
      %cond3A = arith.constant 0 : i32
      %cond3A_26 = arith.cmpi ne, %convert_element_type3A, %cond3A : i32
      scf.if %cond3A_26 {
        %mul3A_254 = arith.constant 224 : i32
        %mul3A_255 = arith.muli %rem3A_24, %mul3A_254 : i32
        %add3A_256 = arith.addi %mul3A_2, %scan3A_23 : i32
        %dma_wait3A = arith.constant 0 : i32
        %dma_wait3A_257 = tpu.memref_slice %arg5[%mul3A_255, %dma_wait3A] : memref<896x128xi8, #tpu.memory_space<vmem>> -> memref<200x128xi8, #tpu.memory_space<vmem>>
        %dma_wait3A_258 = arith.constant 0 : i32
        %dma_wait3A_259 = arith.constant 0 : i32
        %dma_wait3A_260 = tpu.memref_slice %arg3[%add3A_256, %dma_wait3A_258, %dma_wait3A_259] : memref<1024x200x128xi8, #tpu.memory_space<hbm>> -> memref<1x200x128xi8, #tpu.memory_space<hbm>>
        %dma_wait3A_261 = tpu.memref_squeeze %dma_wait3A_260 : memref<1x200x128xi8, #tpu.memory_space<hbm>> -> memref<200x128xi8, #tpu.memory_space<hbm>>
        %dma_wait3A_262 = arith.constant 0 : i32
        %dma_wait3A_263 = arith.constant 0 : i32
        %dma_wait3A_264 = tpu.memref_slice %arg3[%add3A_256, %dma_wait3A_262, %dma_wait3A_263] : memref<1024x200x128xi8, #tpu.memory_space<hbm>> -> memref<1x200x128xi8, #tpu.memory_space<hbm>>
        %dma_wait3A_265 = tpu.memref_squeeze %dma_wait3A_264 : memref<1x200x128xi8, #tpu.memory_space<hbm>> -> memref<200x128xi8, #tpu.memory_space<hbm>>
        %dma_wait3A_266 = arith.constant 0 : i32
        %dma_wait3A_267 = tpu.memref_slice %arg5[%mul3A_255, %dma_wait3A_266] : memref<896x128xi8, #tpu.memory_space<vmem>> -> memref<200x128xi8, #tpu.memory_space<vmem>>
        tpu.wait_dma2 semaphore(%arg6 : memref<!tpu.dma_semaphore, #tpu.memory_space<semaphore_mem>>) src(%dma_wait3A_267 : memref<200x128xi8, #tpu.memory_space<vmem>>) dst(%dma_wait3A_265 : memref<200x128xi8, #tpu.memory_space<hbm>>)
        %sub3A = arith.constant 4 : i32
        %sub3A_268 = arith.subi %scan3A_23, %sub3A : i32
        %scan3A_269 = arith.constant 0 : i32
        %scan3A_270 = arith.constant 0 : i32
        %mul3A_271 = arith.constant 16 : i32
        %mul3A_272 = arith.muli %scan3A_270, %mul3A_271 : i32
        %get3A_273 = arith.index_cast %sub3A_268 : i32 to index
        %get3A_274 = arith.index_cast %mul3A_272 : i32 to index
        %get3A_275 = tpu.vector_load %arg4[%get3A_273, %get3A_274] {strides = array<i32>} : memref<32x128xi32, #tpu.memory_space<vmem>>, vector<16xi32>,
        %mul3A_276 = arith.constant 16 : i32
        %mul3A_277 = arith.muli %scan3A_270, %mul3A_276 : i32
        %add3A_278 = vector.broadcast %mul3A_277 : i32 to vector<16xi32>
        %add3A_279 = arith.addi %iota3A, %add3A_278 : vector<16xi32>
        %mul3A_280 = arith.constant 56 : i32
        %mul3A_281 = arith.muli %rem3A_24, %mul3A_280 : i32
        %shift_right_logical3A_282 = arith.constant 2 : i32
        %shift_right_logical3A_283 = vector.broadcast %shift_right_logical3A_282 : i32 to vector<16xi32>
        %shift_right_logical3A_284 = arith.shrui %get3A_275, %shift_right_logical3A_283 : vector<16xi32>
        %add3A_285 = vector.broadcast %mul3A_281 : i32 to vector<16xi32>
        %add3A_286 = arith.addi %add3A_285, %shift_right_logical3A_284 : vector<16xi32>
        %scatter3A_287 = tpu.memref_bitcast %arg5 : memref<896x128xi8, #tpu.memory_space<vmem>> -> memref<224x128xi32, #tpu.memory_space<vmem>>
        tpu.vector_store_idx %scatter3A_287[%add3A_286, %add3A_279], %broadcast_in_dim3A_3 : memref<224x128xi32, #tpu.memory_space<vmem>>[vector<16xi32>, vector<16xi32>], vector<16xi32>,
        %scan3A_288 = arith.constant 1 : i32
        %mul3A_289 = arith.constant 16 : i32
        %mul3A_290 = arith.muli %scan3A_288, %mul3A_289 : i32
        %get3A_291 = arith.index_cast %sub3A_268 : i32 to index
        %get3A_292 = arith.index_cast %mul3A_290 : i32 to index
        %get3A_293 = tpu.vector_load %arg4[%get3A_291, %get3A_292] {strides = array<i32>} : memref<32x128xi32, #tpu.memory_space<vmem>>, vector<16xi32>,
        %mul3A_294 = arith.constant 16 : i32
        %mul3A_295 = arith.muli %scan3A_288, %mul3A_294 : i32
        %add3A_296 = vector.broadcast %mul3A_295 : i32 to vector<16xi32>
        %add3A_297 = arith.addi %iota3A, %add3A_296 : vector<16xi32>
        %mul3A_298 = arith.constant 56 : i32
        %mul3A_299 = arith.muli %rem3A_24, %mul3A_298 : i32
        %shift_right_logical3A_300 = arith.constant 2 : i32
        %shift_right_logical3A_301 = vector.broadcast %shift_right_logical3A_300 : i32 to vector<16xi32>
        %shift_right_logical3A_302 = arith.shrui %get3A_293, %shift_right_logical3A_301 : vector<16xi32>
        %add3A_303 = vector.broadcast %mul3A_299 : i32 to vector<16xi32>
        %add3A_304 = arith.addi %add3A_303, %shift_right_logical3A_302 : vector<16xi32>
        %scatter3A_305 = tpu.memref_bitcast %arg5 : memref<896x128xi8, #tpu.memory_space<vmem>> -> memref<224x128xi32, #tpu.memory_space<vmem>>
        tpu.vector_store_idx %scatter3A_305[%add3A_304, %add3A_297], %broadcast_in_dim3A_3 : memref<224x128xi32, #tpu.memory_space<vmem>>[vector<16xi32>, vector<16xi32>], vector<16xi32>,
        %scan3A_306 = arith.constant 2 : i32
        %mul3A_307 = arith.constant 16 : i32
        %mul3A_308 = arith.muli %scan3A_306, %mul3A_307 : i32
        %get3A_309 = arith.index_cast %sub3A_268 : i32 to index
        %get3A_310 = arith.index_cast %mul3A_308 : i32 to index
        %get3A_311 = tpu.vector_load %arg4[%get3A_309, %get3A_310] {strides = array<i32>} : memref<32x128xi32, #tpu.memory_space<vmem>>, vector<16xi32>,
        %mul3A_312 = arith.constant 16 : i32
        %mul3A_313 = arith.muli %scan3A_306, %mul3A_312 : i32
        %add3A_314 = vector.broadcast %mul3A_313 : i32 to vector<16xi32>
        %add3A_315 = arith.addi %iota3A, %add3A_314 : vector<16xi32>
        %mul3A_316 = arith.constant 56 : i32
        %mul3A_317 = arith.muli %rem3A_24, %mul3A_316 : i32
        %shift_right_logical3A_318 = arith.constant 2 : i32
        %shift_right_logical3A_319 = vector.broadcast %shift_right_logical3A_318 : i32 to vector<16xi32>
        %shift_right_logical3A_320 = arith.shrui %get3A_311, %shift_right_logical3A_319 : vector<16xi32>
        %add3A_321 = vector.broadcast %mul3A_317 : i32 to vector<16xi32>
        %add3A_322 = arith.addi %add3A_321, %shift_right_logical3A_320 : vector<16xi32>
        %scatter3A_323 = tpu.memref_bitcast %arg5 : memref<896x128xi8, #tpu.memory_space<vmem>> -> memref<224x128xi32, #tpu.memory_space<vmem>>
        tpu.vector_store_idx %scatter3A_323[%add3A_322, %add3A_315], %broadcast_in_dim3A_3 : memref<224x128xi32, #tpu.memory_space<vmem>>[vector<16xi32>, vector<16xi32>], vector<16xi32>,
        %scan3A_324 = arith.constant 3 : i32
        %mul3A_325 = arith.constant 16 : i32
        %mul3A_326 = arith.muli %scan3A_324, %mul3A_325 : i32
        %get3A_327 = arith.index_cast %sub3A_268 : i32 to index
        %get3A_328 = arith.index_cast %mul3A_326 : i32 to index
        %get3A_329 = tpu.vector_load %arg4[%get3A_327, %get3A_328] {strides = array<i32>} : memref<32x128xi32, #tpu.memory_space<vmem>>, vector<16xi32>,
        %mul3A_330 = arith.constant 16 : i32
        %mul3A_331 = arith.muli %scan3A_324, %mul3A_330 : i32
        %add3A_332 = vector.broadcast %mul3A_331 : i32 to vector<16xi32>
        %add3A_333 = arith.addi %iota3A, %add3A_332 : vector<16xi32>
        %mul3A_334 = arith.constant 56 : i32
        %mul3A_335 = arith.muli %rem3A_24, %mul3A_334 : i32
        %shift_right_logical3A_336 = arith.constant 2 : i32
        %shift_right_logical3A_337 = vector.broadcast %shift_right_logical3A_336 : i32 to vector<16xi32>
        %shift_right_logical3A_338 = arith.shrui %get3A_329, %shift_right_logical3A_337 : vector<16xi32>
        %add3A_339 = vector.broadcast %mul3A_335 : i32 to vector<16xi32>
        %add3A_340 = arith.addi %add3A_339, %shift_right_logical3A_338 : vector<16xi32>
        %scatter3A_341 = tpu.memref_bitcast %arg5 : memref<896x128xi8, #tpu.memory_space<vmem>> -> memref<224x128xi32, #tpu.memory_space<vmem>>
        tpu.vector_store_idx %scatter3A_341[%add3A_340, %add3A_333], %broadcast_in_dim3A_3 : memref<224x128xi32, #tpu.memory_space<vmem>>[vector<16xi32>, vector<16xi32>], vector<16xi32>,
        %scan3A_342 = arith.constant 4 : i32
        %mul3A_343 = arith.constant 16 : i32
        %mul3A_344 = arith.muli %scan3A_342, %mul3A_343 : i32
        %get3A_345 = arith.index_cast %sub3A_268 : i32 to index
        %get3A_346 = arith.index_cast %mul3A_344 : i32 to index
        %get3A_347 = tpu.vector_load %arg4[%get3A_345, %get3A_346] {strides = array<i32>} : memref<32x128xi32, #tpu.memory_space<vmem>>, vector<16xi32>,
        %mul3A_348 = arith.constant 16 : i32
        %mul3A_349 = arith.muli %scan3A_342, %mul3A_348 : i32
        %add3A_350 = vector.broadcast %mul3A_349 : i32 to vector<16xi32>
        %add3A_351 = arith.addi %iota3A, %add3A_350 : vector<16xi32>
        %mul3A_352 = arith.constant 56 : i32
        %mul3A_353 = arith.muli %rem3A_24, %mul3A_352 : i32
        %shift_right_logical3A_354 = arith.constant 2 : i32
        %shift_right_logical3A_355 = vector.broadcast %shift_right_logical3A_354 : i32 to vector<16xi32>
        %shift_right_logical3A_356 = arith.shrui %get3A_347, %shift_right_logical3A_355 : vector<16xi32>
        %add3A_357 = vector.broadcast %mul3A_353 : i32 to vector<16xi32>
        %add3A_358 = arith.addi %add3A_357, %shift_right_logical3A_356 : vector<16xi32>
        %scatter3A_359 = tpu.memref_bitcast %arg5 : memref<896x128xi8, #tpu.memory_space<vmem>> -> memref<224x128xi32, #tpu.memory_space<vmem>>
        tpu.vector_store_idx %scatter3A_359[%add3A_358, %add3A_351], %broadcast_in_dim3A_3 : memref<224x128xi32, #tpu.memory_space<vmem>>[vector<16xi32>, vector<16xi32>], vector<16xi32>,
        %scan3A_360 = arith.constant 5 : i32
        %mul3A_361 = arith.constant 16 : i32
        %mul3A_362 = arith.muli %scan3A_360, %mul3A_361 : i32
        %get3A_363 = arith.index_cast %sub3A_268 : i32 to index
        %get3A_364 = arith.index_cast %mul3A_362 : i32 to index
        %get3A_365 = tpu.vector_load %arg4[%get3A_363, %get3A_364] {strides = array<i32>} : memref<32x128xi32, #tpu.memory_space<vmem>>, vector<16xi32>,
        %mul3A_366 = arith.constant 16 : i32
        %mul3A_367 = arith.muli %scan3A_360, %mul3A_366 : i32
        %add3A_368 = vector.broadcast %mul3A_367 : i32 to vector<16xi32>
        %add3A_369 = arith.addi %iota3A, %add3A_368 : vector<16xi32>
        %mul3A_370 = arith.constant 56 : i32
        %mul3A_371 = arith.muli %rem3A_24, %mul3A_370 : i32
        %shift_right_logical3A_372 = arith.constant 2 : i32
        %shift_right_logical3A_373 = vector.broadcast %shift_right_logical3A_372 : i32 to vector<16xi32>
        %shift_right_logical3A_374 = arith.shrui %get3A_365, %shift_right_logical3A_373 : vector<16xi32>
        %add3A_375 = vector.broadcast %mul3A_371 : i32 to vector<16xi32>
        %add3A_376 = arith.addi %add3A_375, %shift_right_logical3A_374 : vector<16xi32>
        %scatter3A_377 = tpu.memref_bitcast %arg5 : memref<896x128xi8, #tpu.memory_space<vmem>> -> memref<224x128xi32, #tpu.memory_space<vmem>>
        tpu.vector_store_idx %scatter3A_377[%add3A_376, %add3A_369], %broadcast_in_dim3A_3 : memref<224x128xi32, #tpu.memory_space<vmem>>[vector<16xi32>, vector<16xi32>], vector<16xi32>,
        %scan3A_378 = arith.constant 6 : i32
        %mul3A_379 = arith.constant 16 : i32
        %mul3A_380 = arith.muli %scan3A_378, %mul3A_379 : i32
        %get3A_381 = arith.index_cast %sub3A_268 : i32 to index
        %get3A_382 = arith.index_cast %mul3A_380 : i32 to index
        %get3A_383 = tpu.vector_load %arg4[%get3A_381, %get3A_382] {strides = array<i32>} : memref<32x128xi32, #tpu.memory_space<vmem>>, vector<16xi32>,
        %mul3A_384 = arith.constant 16 : i32
        %mul3A_385 = arith.muli %scan3A_378, %mul3A_384 : i32
        %add3A_386 = vector.broadcast %mul3A_385 : i32 to vector<16xi32>
        %add3A_387 = arith.addi %iota3A, %add3A_386 : vector<16xi32>
        %mul3A_388 = arith.constant 56 : i32
        %mul3A_389 = arith.muli %rem3A_24, %mul3A_388 : i32
        %shift_right_logical3A_390 = arith.constant 2 : i32
        %shift_right_logical3A_391 = vector.broadcast %shift_right_logical3A_390 : i32 to vector<16xi32>
        %shift_right_logical3A_392 = arith.shrui %get3A_383, %shift_right_logical3A_391 : vector<16xi32>
        %add3A_393 = vector.broadcast %mul3A_389 : i32 to vector<16xi32>
        %add3A_394 = arith.addi %add3A_393, %shift_right_logical3A_392 : vector<16xi32>
        %scatter3A_395 = tpu.memref_bitcast %arg5 : memref<896x128xi8, #tpu.memory_space<vmem>> -> memref<224x128xi32, #tpu.memory_space<vmem>>
        tpu.vector_store_idx %scatter3A_395[%add3A_394, %add3A_387], %broadcast_in_dim3A_3 : memref<224x128xi32, #tpu.memory_space<vmem>>[vector<16xi32>, vector<16xi32>], vector<16xi32>,
        %scan3A_396 = arith.constant 7 : i32
        %mul3A_397 = arith.constant 16 : i32
        %mul3A_398 = arith.muli %scan3A_396, %mul3A_397 : i32
        %get3A_399 = arith.index_cast %sub3A_268 : i32 to index
        %get3A_400 = arith.index_cast %mul3A_398 : i32 to index
        %get3A_401 = tpu.vector_load %arg4[%get3A_399, %get3A_400] {strides = array<i32>} : memref<32x128xi32, #tpu.memory_space<vmem>>, vector<16xi32>,
        %mul3A_402 = arith.constant 16 : i32
        %mul3A_403 = arith.muli %scan3A_396, %mul3A_402 : i32
        %add3A_404 = vector.broadcast %mul3A_403 : i32 to vector<16xi32>
        %add3A_405 = arith.addi %iota3A, %add3A_404 : vector<16xi32>
        %mul3A_406 = arith.constant 56 : i32
        %mul3A_407 = arith.muli %rem3A_24, %mul3A_406 : i32
        %shift_right_logical3A_408 = arith.constant 2 : i32
        %shift_right_logical3A_409 = vector.broadcast %shift_right_logical3A_408 : i32 to vector<16xi32>
        %shift_right_logical3A_410 = arith.shrui %get3A_401, %shift_right_logical3A_409 : vector<16xi32>
        %add3A_411 = vector.broadcast %mul3A_407 : i32 to vector<16xi32>
        %add3A_412 = arith.addi %add3A_411, %shift_right_logical3A_410 : vector<16xi32>
        %scatter3A_413 = tpu.memref_bitcast %arg5 : memref<896x128xi8, #tpu.memory_space<vmem>> -> memref<224x128xi32, #tpu.memory_space<vmem>>
        tpu.vector_store_idx %scatter3A_413[%add3A_412, %add3A_405], %broadcast_in_dim3A_3 : memref<224x128xi32, #tpu.memory_space<vmem>>[vector<16xi32>, vector<16xi32>], vector<16xi32>,
        %scan3A_414 = arith.constant 8 : i32
      } else {
      }
      %scan3A_27 = arith.constant 0 : i32
      %scan3A_28 = arith.constant 0 : i32
      %mul3A_29 = arith.constant 16 : i32
      %mul3A_30 = arith.muli %scan3A_28, %mul3A_29 : i32
      %get3A = arith.index_cast %scan3A_23 : i32 to index
      %get3A_31 = arith.index_cast %mul3A_30 : i32 to index
      %get3A_32 = tpu.vector_load %arg4[%get3A, %get3A_31] {strides = array<i32>} : memref<32x128xi32, #tpu.memory_space<vmem>>, vector<16xi32>,
      %mul3A_33 = arith.constant 16 : i32
      %mul3A_34 = arith.muli %scan3A_28, %mul3A_33 : i32
      %add3A_35 = vector.broadcast %mul3A_34 : i32 to vector<16xi32>
      %add3A_36 = arith.addi %iota3A, %add3A_35 : vector<16xi32>
      %mul3A_37 = arith.constant 56 : i32
      %mul3A_38 = arith.muli %rem3A_24, %mul3A_37 : i32
      %shift_right_logical3A = arith.constant 2 : i32
      %shift_right_logical3A_39 = vector.broadcast %shift_right_logical3A : i32 to vector<16xi32>
      %shift_right_logical3A_40 = arith.shrui %get3A_32, %shift_right_logical3A_39 : vector<16xi32>
      %add3A_41 = vector.broadcast %mul3A_38 : i32 to vector<16xi32>
      %add3A_42 = arith.addi %add3A_41, %shift_right_logical3A_40 : vector<16xi32>
      %and3A = arith.constant 3 : i32
      %and3A_43 = vector.broadcast %and3A : i32 to vector<16xi32>
      %and3A_44 = arith.andi %get3A_32, %and3A_43 : vector<16xi32>
      %shift_left3A = arith.constant 3 : i32
      %shift_left3A_45 = vector.broadcast %shift_left3A : i32 to vector<16xi32>
      %shift_left3A_46 = arith.shli %and3A_44, %shift_left3A_45 : vector<16xi32>
      %shift_left3A_47 = arith.constant 1 : i32
      %shift_left3A_48 = vector.broadcast %shift_left3A_47 : i32 to vector<16xi32>
      %shift_left3A_49 = arith.shli %shift_left3A_48, %shift_left3A_46 : vector<16xi32>
      %scatter3A = tpu.memref_bitcast %arg5 : memref<896x128xi8, #tpu.memory_space<vmem>> -> memref<224x128xi32, #tpu.memory_space<vmem>>
      tpu.vector_store_idx %scatter3A[%add3A_42, %add3A_36], %shift_left3A_49 : memref<224x128xi32, #tpu.memory_space<vmem>>[vector<16xi32>, vector<16xi32>], vector<16xi32>,
      %scan3A_50 = arith.constant 1 : i32
      %mul3A_51 = arith.constant 16 : i32
      %mul3A_52 = arith.muli %scan3A_50, %mul3A_51 : i32
      %get3A_53 = arith.index_cast %scan3A_23 : i32 to index
      %get3A_54 = arith.index_cast %mul3A_52 : i32 to index
      %get3A_55 = tpu.vector_load %arg4[%get3A_53, %get3A_54] {strides = array<i32>} : memref<32x128xi32, #tpu.memory_space<vmem>>, vector<16xi32>,
      %mul3A_56 = arith.constant 16 : i32
      %mul3A_57 = arith.muli %scan3A_50, %mul3A_56 : i32
      %add3A_58 = vector.broadcast %mul3A_57 : i32 to vector<16xi32>
      %add3A_59 = arith.addi %iota3A, %add3A_58 : vector<16xi32>
      %mul3A_60 = arith.constant 56 : i32
      %mul3A_61 = arith.muli %rem3A_24, %mul3A_60 : i32
      %shift_right_logical3A_62 = arith.constant 2 : i32
      %shift_right_logical3A_63 = vector.broadcast %shift_right_logical3A_62 : i32 to vector<16xi32>
      %shift_right_logical3A_64 = arith.shrui %get3A_55, %shift_right_logical3A_63 : vector<16xi32>
      %add3A_65 = vector.broadcast %mul3A_61 : i32 to vector<16xi32>
      %add3A_66 = arith.addi %add3A_65, %shift_right_logical3A_64 : vector<16xi32>
      %and3A_67 = arith.constant 3 : i32
      %and3A_68 = vector.broadcast %and3A_67 : i32 to vector<16xi32>
      %and3A_69 = arith.andi %get3A_55, %and3A_68 : vector<16xi32>
      %shift_left3A_70 = arith.constant 3 : i32
      %shift_left3A_71 = vector.broadcast %shift_left3A_70 : i32 to vector<16xi32>
      %shift_left3A_72 = arith.shli %and3A_69, %shift_left3A_71 : vector<16xi32>
      %shift_left3A_73 = arith.constant 1 : i32
      %shift_left3A_74 = vector.broadcast %shift_left3A_73 : i32 to vector<16xi32>
      %shift_left3A_75 = arith.shli %shift_left3A_74, %shift_left3A_72 : vector<16xi32>
      %scatter3A_76 = tpu.memref_bitcast %arg5 : memref<896x128xi8, #tpu.memory_space<vmem>> -> memref<224x128xi32, #tpu.memory_space<vmem>>
      tpu.vector_store_idx %scatter3A_76[%add3A_66, %add3A_59], %shift_left3A_75 : memref<224x128xi32, #tpu.memory_space<vmem>>[vector<16xi32>, vector<16xi32>], vector<16xi32>,
      %scan3A_77 = arith.constant 2 : i32
      %mul3A_78 = arith.constant 16 : i32
      %mul3A_79 = arith.muli %scan3A_77, %mul3A_78 : i32
      %get3A_80 = arith.index_cast %scan3A_23 : i32 to index
      %get3A_81 = arith.index_cast %mul3A_79 : i32 to index
      %get3A_82 = tpu.vector_load %arg4[%get3A_80, %get3A_81] {strides = array<i32>} : memref<32x128xi32, #tpu.memory_space<vmem>>, vector<16xi32>,
      %mul3A_83 = arith.constant 16 : i32
      %mul3A_84 = arith.muli %scan3A_77, %mul3A_83 : i32
      %add3A_85 = vector.broadcast %mul3A_84 : i32 to vector<16xi32>
      %add3A_86 = arith.addi %iota3A, %add3A_85 : vector<16xi32>
      %mul3A_87 = arith.constant 56 : i32
      %mul3A_88 = arith.muli %rem3A_24, %mul3A_87 : i32
      %shift_right_logical3A_89 = arith.constant 2 : i32
      %shift_right_logical3A_90 = vector.broadcast %shift_right_logical3A_89 : i32 to vector<16xi32>
      %shift_right_logical3A_91 = arith.shrui %get3A_82, %shift_right_logical3A_90 : vector<16xi32>
      %add3A_92 = vector.broadcast %mul3A_88 : i32 to vector<16xi32>
      %add3A_93 = arith.addi %add3A_92, %shift_right_logical3A_91 : vector<16xi32>
      %and3A_94 = arith.constant 3 : i32
      %and3A_95 = vector.broadcast %and3A_94 : i32 to vector<16xi32>
      %and3A_96 = arith.andi %get3A_82, %and3A_95 : vector<16xi32>
      %shift_left3A_97 = arith.constant 3 : i32
      %shift_left3A_98 = vector.broadcast %shift_left3A_97 : i32 to vector<16xi32>
      %shift_left3A_99 = arith.shli %and3A_96, %shift_left3A_98 : vector<16xi32>
      %shift_left3A_100 = arith.constant 1 : i32
      %shift_left3A_101 = vector.broadcast %shift_left3A_100 : i32 to vector<16xi32>
      %shift_left3A_102 = arith.shli %shift_left3A_101, %shift_left3A_99 : vector<16xi32>
      %scatter3A_103 = tpu.memref_bitcast %arg5 : memref<896x128xi8, #tpu.memory_space<vmem>> -> memref<224x128xi32, #tpu.memory_space<vmem>>
      tpu.vector_store_idx %scatter3A_103[%add3A_93, %add3A_86], %shift_left3A_102 : memref<224x128xi32, #tpu.memory_space<vmem>>[vector<16xi32>, vector<16xi32>], vector<16xi32>,
      %scan3A_104 = arith.constant 3 : i32
      %mul3A_105 = arith.constant 16 : i32
      %mul3A_106 = arith.muli %scan3A_104, %mul3A_105 : i32
      %get3A_107 = arith.index_cast %scan3A_23 : i32 to index
      %get3A_108 = arith.index_cast %mul3A_106 : i32 to index
      %get3A_109 = tpu.vector_load %arg4[%get3A_107, %get3A_108] {strides = array<i32>} : memref<32x128xi32, #tpu.memory_space<vmem>>, vector<16xi32>,
      %mul3A_110 = arith.constant 16 : i32
      %mul3A_111 = arith.muli %scan3A_104, %mul3A_110 : i32
      %add3A_112 = vector.broadcast %mul3A_111 : i32 to vector<16xi32>
      %add3A_113 = arith.addi %iota3A, %add3A_112 : vector<16xi32>
      %mul3A_114 = arith.constant 56 : i32
      %mul3A_115 = arith.muli %rem3A_24, %mul3A_114 : i32
      %shift_right_logical3A_116 = arith.constant 2 : i32
      %shift_right_logical3A_117 = vector.broadcast %shift_right_logical3A_116 : i32 to vector<16xi32>
      %shift_right_logical3A_118 = arith.shrui %get3A_109, %shift_right_logical3A_117 : vector<16xi32>
      %add3A_119 = vector.broadcast %mul3A_115 : i32 to vector<16xi32>
      %add3A_120 = arith.addi %add3A_119, %shift_right_logical3A_118 : vector<16xi32>
      %and3A_121 = arith.constant 3 : i32
      %and3A_122 = vector.broadcast %and3A_121 : i32 to vector<16xi32>
      %and3A_123 = arith.andi %get3A_109, %and3A_122 : vector<16xi32>
      %shift_left3A_124 = arith.constant 3 : i32
      %shift_left3A_125 = vector.broadcast %shift_left3A_124 : i32 to vector<16xi32>
      %shift_left3A_126 = arith.shli %and3A_123, %shift_left3A_125 : vector<16xi32>
      %shift_left3A_127 = arith.constant 1 : i32
      %shift_left3A_128 = vector.broadcast %shift_left3A_127 : i32 to vector<16xi32>
      %shift_left3A_129 = arith.shli %shift_left3A_128, %shift_left3A_126 : vector<16xi32>
      %scatter3A_130 = tpu.memref_bitcast %arg5 : memref<896x128xi8, #tpu.memory_space<vmem>> -> memref<224x128xi32, #tpu.memory_space<vmem>>
      tpu.vector_store_idx %scatter3A_130[%add3A_120, %add3A_113], %shift_left3A_129 : memref<224x128xi32, #tpu.memory_space<vmem>>[vector<16xi32>, vector<16xi32>], vector<16xi32>,
      %scan3A_131 = arith.constant 4 : i32
      %mul3A_132 = arith.constant 16 : i32
      %mul3A_133 = arith.muli %scan3A_131, %mul3A_132 : i32
      %get3A_134 = arith.index_cast %scan3A_23 : i32 to index
      %get3A_135 = arith.index_cast %mul3A_133 : i32 to index
      %get3A_136 = tpu.vector_load %arg4[%get3A_134, %get3A_135] {strides = array<i32>} : memref<32x128xi32, #tpu.memory_space<vmem>>, vector<16xi32>,
      %mul3A_137 = arith.constant 16 : i32
      %mul3A_138 = arith.muli %scan3A_131, %mul3A_137 : i32
      %add3A_139 = vector.broadcast %mul3A_138 : i32 to vector<16xi32>
      %add3A_140 = arith.addi %iota3A, %add3A_139 : vector<16xi32>
      %mul3A_141 = arith.constant 56 : i32
      %mul3A_142 = arith.muli %rem3A_24, %mul3A_141 : i32
      %shift_right_logical3A_143 = arith.constant 2 : i32
      %shift_right_logical3A_144 = vector.broadcast %shift_right_logical3A_143 : i32 to vector<16xi32>
      %shift_right_logical3A_145 = arith.shrui %get3A_136, %shift_right_logical3A_144 : vector<16xi32>
      %add3A_146 = vector.broadcast %mul3A_142 : i32 to vector<16xi32>
      %add3A_147 = arith.addi %add3A_146, %shift_right_logical3A_145 : vector<16xi32>
      %and3A_148 = arith.constant 3 : i32
      %and3A_149 = vector.broadcast %and3A_148 : i32 to vector<16xi32>
      %and3A_150 = arith.andi %get3A_136, %and3A_149 : vector<16xi32>
      %shift_left3A_151 = arith.constant 3 : i32
      %shift_left3A_152 = vector.broadcast %shift_left3A_151 : i32 to vector<16xi32>
      %shift_left3A_153 = arith.shli %and3A_150, %shift_left3A_152 : vector<16xi32>
      %shift_left3A_154 = arith.constant 1 : i32
      %shift_left3A_155 = vector.broadcast %shift_left3A_154 : i32 to vector<16xi32>
      %shift_left3A_156 = arith.shli %shift_left3A_155, %shift_left3A_153 : vector<16xi32>
      %scatter3A_157 = tpu.memref_bitcast %arg5 : memref<896x128xi8, #tpu.memory_space<vmem>> -> memref<224x128xi32, #tpu.memory_space<vmem>>
      tpu.vector_store_idx %scatter3A_157[%add3A_147, %add3A_140], %shift_left3A_156 : memref<224x128xi32, #tpu.memory_space<vmem>>[vector<16xi32>, vector<16xi32>], vector<16xi32>,
      %scan3A_158 = arith.constant 5 : i32
      %mul3A_159 = arith.constant 16 : i32
      %mul3A_160 = arith.muli %scan3A_158, %mul3A_159 : i32
      %get3A_161 = arith.index_cast %scan3A_23 : i32 to index
      %get3A_162 = arith.index_cast %mul3A_160 : i32 to index
      %get3A_163 = tpu.vector_load %arg4[%get3A_161, %get3A_162] {strides = array<i32>} : memref<32x128xi32, #tpu.memory_space<vmem>>, vector<16xi32>,
      %mul3A_164 = arith.constant 16 : i32
      %mul3A_165 = arith.muli %scan3A_158, %mul3A_164 : i32
      %add3A_166 = vector.broadcast %mul3A_165 : i32 to vector<16xi32>
      %add3A_167 = arith.addi %iota3A, %add3A_166 : vector<16xi32>
      %mul3A_168 = arith.constant 56 : i32
      %mul3A_169 = arith.muli %rem3A_24, %mul3A_168 : i32
      %shift_right_logical3A_170 = arith.constant 2 : i32
      %shift_right_logical3A_171 = vector.broadcast %shift_right_logical3A_170 : i32 to vector<16xi32>
      %shift_right_logical3A_172 = arith.shrui %get3A_163, %shift_right_logical3A_171 : vector<16xi32>
      %add3A_173 = vector.broadcast %mul3A_169 : i32 to vector<16xi32>
      %add3A_174 = arith.addi %add3A_173, %shift_right_logical3A_172 : vector<16xi32>
      %and3A_175 = arith.constant 3 : i32
      %and3A_176 = vector.broadcast %and3A_175 : i32 to vector<16xi32>
      %and3A_177 = arith.andi %get3A_163, %and3A_176 : vector<16xi32>
      %shift_left3A_178 = arith.constant 3 : i32
      %shift_left3A_179 = vector.broadcast %shift_left3A_178 : i32 to vector<16xi32>
      %shift_left3A_180 = arith.shli %and3A_177, %shift_left3A_179 : vector<16xi32>
      %shift_left3A_181 = arith.constant 1 : i32
      %shift_left3A_182 = vector.broadcast %shift_left3A_181 : i32 to vector<16xi32>
      %shift_left3A_183 = arith.shli %shift_left3A_182, %shift_left3A_180 : vector<16xi32>
      %scatter3A_184 = tpu.memref_bitcast %arg5 : memref<896x128xi8, #tpu.memory_space<vmem>> -> memref<224x128xi32, #tpu.memory_space<vmem>>
      tpu.vector_store_idx %scatter3A_184[%add3A_174, %add3A_167], %shift_left3A_183 : memref<224x128xi32, #tpu.memory_space<vmem>>[vector<16xi32>, vector<16xi32>], vector<16xi32>,
      %scan3A_185 = arith.constant 6 : i32
      %mul3A_186 = arith.constant 16 : i32
      %mul3A_187 = arith.muli %scan3A_185, %mul3A_186 : i32
      %get3A_188 = arith.index_cast %scan3A_23 : i32 to index
      %get3A_189 = arith.index_cast %mul3A_187 : i32 to index
      %get3A_190 = tpu.vector_load %arg4[%get3A_188, %get3A_189] {strides = array<i32>} : memref<32x128xi32, #tpu.memory_space<vmem>>, vector<16xi32>,
      %mul3A_191 = arith.constant 16 : i32
      %mul3A_192 = arith.muli %scan3A_185, %mul3A_191 : i32
      %add3A_193 = vector.broadcast %mul3A_192 : i32 to vector<16xi32>
      %add3A_194 = arith.addi %iota3A, %add3A_193 : vector<16xi32>
      %mul3A_195 = arith.constant 56 : i32
      %mul3A_196 = arith.muli %rem3A_24, %mul3A_195 : i32
      %shift_right_logical3A_197 = arith.constant 2 : i32
      %shift_right_logical3A_198 = vector.broadcast %shift_right_logical3A_197 : i32 to vector<16xi32>
      %shift_right_logical3A_199 = arith.shrui %get3A_190, %shift_right_logical3A_198 : vector<16xi32>
      %add3A_200 = vector.broadcast %mul3A_196 : i32 to vector<16xi32>
      %add3A_201 = arith.addi %add3A_200, %shift_right_logical3A_199 : vector<16xi32>
      %and3A_202 = arith.constant 3 : i32
      %and3A_203 = vector.broadcast %and3A_202 : i32 to vector<16xi32>
      %and3A_204 = arith.andi %get3A_190, %and3A_203 : vector<16xi32>
      %shift_left3A_205 = arith.constant 3 : i32
      %shift_left3A_206 = vector.broadcast %shift_left3A_205 : i32 to vector<16xi32>
      %shift_left3A_207 = arith.shli %and3A_204, %shift_left3A_206 : vector<16xi32>
      %shift_left3A_208 = arith.constant 1 : i32
      %shift_left3A_209 = vector.broadcast %shift_left3A_208 : i32 to vector<16xi32>
      %shift_left3A_210 = arith.shli %shift_left3A_209, %shift_left3A_207 : vector<16xi32>
      %scatter3A_211 = tpu.memref_bitcast %arg5 : memref<896x128xi8, #tpu.memory_space<vmem>> -> memref<224x128xi32, #tpu.memory_space<vmem>>
      tpu.vector_store_idx %scatter3A_211[%add3A_201, %add3A_194], %shift_left3A_210 : memref<224x128xi32, #tpu.memory_space<vmem>>[vector<16xi32>, vector<16xi32>], vector<16xi32>,
      %scan3A_212 = arith.constant 7 : i32
      %mul3A_213 = arith.constant 16 : i32
      %mul3A_214 = arith.muli %scan3A_212, %mul3A_213 : i32
      %get3A_215 = arith.index_cast %scan3A_23 : i32 to index
      %get3A_216 = arith.index_cast %mul3A_214 : i32 to index
      %get3A_217 = tpu.vector_load %arg4[%get3A_215, %get3A_216] {strides = array<i32>} : memref<32x128xi32, #tpu.memory_space<vmem>>, vector<16xi32>,
      %mul3A_218 = arith.constant 16 : i32
      %mul3A_219 = arith.muli %scan3A_212, %mul3A_218 : i32
      %add3A_220 = vector.broadcast %mul3A_219 : i32 to vector<16xi32>
      %add3A_221 = arith.addi %iota3A, %add3A_220 : vector<16xi32>
      %mul3A_222 = arith.constant 56 : i32
      %mul3A_223 = arith.muli %rem3A_24, %mul3A_222 : i32
      %shift_right_logical3A_224 = arith.constant 2 : i32
      %shift_right_logical3A_225 = vector.broadcast %shift_right_logical3A_224 : i32 to vector<16xi32>
      %shift_right_logical3A_226 = arith.shrui %get3A_217, %shift_right_logical3A_225 : vector<16xi32>
      %add3A_227 = vector.broadcast %mul3A_223 : i32 to vector<16xi32>
      %add3A_228 = arith.addi %add3A_227, %shift_right_logical3A_226 : vector<16xi32>
      %and3A_229 = arith.constant 3 : i32
      %and3A_230 = vector.broadcast %and3A_229 : i32 to vector<16xi32>
      %and3A_231 = arith.andi %get3A_217, %and3A_230 : vector<16xi32>
      %shift_left3A_232 = arith.constant 3 : i32
      %shift_left3A_233 = vector.broadcast %shift_left3A_232 : i32 to vector<16xi32>
      %shift_left3A_234 = arith.shli %and3A_231, %shift_left3A_233 : vector<16xi32>
      %shift_left3A_235 = arith.constant 1 : i32
      %shift_left3A_236 = vector.broadcast %shift_left3A_235 : i32 to vector<16xi32>
      %shift_left3A_237 = arith.shli %shift_left3A_236, %shift_left3A_234 : vector<16xi32>
      %scatter3A_238 = tpu.memref_bitcast %arg5 : memref<896x128xi8, #tpu.memory_space<vmem>> -> memref<224x128xi32, #tpu.memory_space<vmem>>
      tpu.vector_store_idx %scatter3A_238[%add3A_228, %add3A_221], %shift_left3A_237 : memref<224x128xi32, #tpu.memory_space<vmem>>[vector<16xi32>, vector<16xi32>], vector<16xi32>,
      %scan3A_239 = arith.constant 8 : i32
      %mul3A_240 = arith.constant 224 : i32
      %mul3A_241 = arith.muli %rem3A_24, %mul3A_240 : i32
      %add3A_242 = arith.addi %mul3A_2, %scan3A_23 : i32
      %dma_start3A = arith.constant 0 : i32
      %dma_start3A_243 = tpu.memref_slice %arg5[%mul3A_241, %dma_start3A] : memref<896x128xi8, #tpu.memory_space<vmem>> -> memref<200x128xi8, #tpu.memory_space<vmem>>
      %dma_start3A_244 = arith.constant 0 : i32
      %dma_start3A_245 = arith.constant 0 : i32
      %dma_start3A_246 = tpu.memref_slice %arg3[%add3A_242, %dma_start3A_244, %dma_start3A_245] : memref<1024x200x128xi8, #tpu.memory_space<hbm>> -> memref<1x200x128xi8, #tpu.memory_space<hbm>>
      %dma_start3A_247 = tpu.memref_squeeze %dma_start3A_246 : memref<1x200x128xi8, #tpu.memory_space<hbm>> -> memref<200x128xi8, #tpu.memory_space<hbm>>
      %dma_start3A_248 = arith.constant 0 : i32
      %dma_start3A_249 = arith.constant 0 : i32
      %dma_start3A_250 = tpu.memref_slice %arg3[%add3A_242, %dma_start3A_248, %dma_start3A_249] : memref<1024x200x128xi8, #tpu.memory_space<hbm>> -> memref<1x200x128xi8, #tpu.memory_space<hbm>>
      %dma_start3A_251 = tpu.memref_squeeze %dma_start3A_250 : memref<1x200x128xi8, #tpu.memory_space<hbm>> -> memref<200x128xi8, #tpu.memory_space<hbm>>
      %dma_start3A_252 = arith.constant 0 : i32
      %dma_start3A_253 = tpu.memref_slice %arg5[%mul3A_241, %dma_start3A_252] : memref<896x128xi8, #tpu.memory_space<vmem>> -> memref<200x128xi8, #tpu.memory_space<vmem>>
      tpu.enqueue_dma source(%dma_start3A_253 : memref<200x128xi8, #tpu.memory_space<vmem>>) target(%dma_start3A_251 : memref<200x128xi8, #tpu.memory_space<hbm>>) target_semaphore(%arg6 : memref<!tpu.dma_semaphore, #tpu.memory_space<semaphore_mem>>)
    }
    %scan3A_16 = arith.constant 32 : i32
    %scan3A_17 = arith.constant 0 : i32
    %scan3A_18 = arith.constant 0 : i32
    %scan3A_19 = arith.constant 4 : i32
    %scan3A_20 = arith.addi %scan3A_18, %scan3A_19 : i32
    %scan3A_21 = arith.constant 1 : i32
    scf.for %scan3A_23 = %scan3A_18 to %scan3A_20 step %scan3A_21  : i32 {
      %dma_wait3A = arith.constant 0 : i32
      %dma_wait3A_24 = arith.constant 0 : i32
      %dma_wait3A_25 = tpu.memref_slice %arg5[%dma_wait3A, %dma_wait3A_24] : memref<896x128xi8, #tpu.memory_space<vmem>> -> memref<200x128xi8, #tpu.memory_space<vmem>>
      %dma_wait3A_26 = arith.constant 0 : i32
      %dma_wait3A_27 = arith.constant 0 : i32
      %dma_wait3A_28 = tpu.memref_slice %arg3[%mul3A_2, %dma_wait3A_26, %dma_wait3A_27] : memref<1024x200x128xi8, #tpu.memory_space<hbm>> -> memref<1x200x128xi8, #tpu.memory_space<hbm>>
      %dma_wait3A_29 = tpu.memref_squeeze %dma_wait3A_28 : memref<1x200x128xi8, #tpu.memory_space<hbm>> -> memref<200x128xi8, #tpu.memory_space<hbm>>
      %dma_wait3A_30 = arith.constant 0 : i32
      %dma_wait3A_31 = arith.constant 0 : i32
      %dma_wait3A_32 = tpu.memref_slice %arg3[%mul3A_2, %dma_wait3A_30, %dma_wait3A_31] : memref<1024x200x128xi8, #tpu.memory_space<hbm>> -> memref<1x200x128xi8, #tpu.memory_space<hbm>>
      %dma_wait3A_33 = tpu.memref_squeeze %dma_wait3A_32 : memref<1x200x128xi8, #tpu.memory_space<hbm>> -> memref<200x128xi8, #tpu.memory_space<hbm>>
      %dma_wait3A_34 = arith.constant 0 : i32
      %dma_wait3A_35 = arith.constant 0 : i32
      %dma_wait3A_36 = tpu.memref_slice %arg5[%dma_wait3A_34, %dma_wait3A_35] : memref<896x128xi8, #tpu.memory_space<vmem>> -> memref<200x128xi8, #tpu.memory_space<vmem>>
      tpu.wait_dma2 semaphore(%arg6 : memref<!tpu.dma_semaphore, #tpu.memory_space<semaphore_mem>>) src(%dma_wait3A_36 : memref<200x128xi8, #tpu.memory_space<vmem>>) dst(%dma_wait3A_33 : memref<200x128xi8, #tpu.memory_space<hbm>>)
    }
    %scan3A_22 = arith.constant 4 : i32
    return
  }
}

</mosaic_0001>

<sc_bundles>
// kernel: kernel.3.cloned.1.call-start
scs
__scs_entry_jumppad:
0x0: {  	(pc) =	sbr.rel $0x88, $3  }
0x1: {  	(tag) =	ssettag $0x0;
	lr =	simm.s32 $0x1  }
0x2: {  	[smem:$0x3FA0] =	sst lr;
	_ =	strace $0xD0000000  }
0x3: {  	_ = 	snop  }
0x4: {  	_ = 	snop  }
0x5: {  	_ = 	snop  }
0x6: {  	_ = 	snop  }
0x7: {  	_ = 	snop  }
__scs_overlays_trampoline_lowered:
0x8: {  	[smem:$0x3FAF] =	sst s0  }
0x9: {  	[smem:$0x3FB0] =	sst s1  }
0xa: {  	[smem:$0x3FB1] =	sst s2  }
0xb: {  	[smem:$0x3FB2] =	sst s3  }
0xc: {  	[smem:$0x3FB3] =	sst s4  }
0xd: {  	[smem:$0x3FB4] =	sst s5  }
0xe: {  	[smem:$0x3FB5] =	sst s6  }
0xf: {  	[smem:$0x3FB6] =	sst s7  }
0x10: {  	[smem:$0x3FB7] =	sst s8  }
0x11: {  	[smem:$0x3FB8] =	sst s9;
	s0 =	simm.s32 @!p0 $0x0  }
0x12: {  	s1 =	sld [smem:$0x3F9E];
	s0 =	simm.s32 @p0 $0x1  }
0x13: {  	[smem:$0x3FB9] =	sst s0;
	s0 =	simm.s32 @!p1 $0x0  }
0x14: {  	s2 =	sld [smem:$0x3F9D];
	s0 =	simm.s32 @p1 $0x1  }
0x15: {  	[smem:$0x3FBA] =	sst s0;
	s0 =	simm.s32 @!p2 $0x0  }
0x16: {  	s3 =	sld [smem:$0x3FDB];
	s0 =	simm.s32 @p2 $0x1  }
0x17: {  	s4 =	simm.s32 $0x1BF5;
	[smem:$0x3FBC] =	sst s0  }
0x18: {  	s0 =	sld [smem:$0x3F9F];
	_ =	swait.ge [sflag:s4], $0x0  }
0x19: {  	s7 =	sld [smem:$0x3FA0]  }
0x1a: {  	s8 =	sadd.s32 $0xFFFFE003, lr  }
0x1b: {  	s9 =	sadd.s32 $0xFFFFFEF7, lr;
	s5 =	simm.s32 $0xFFFFFFFF;
	p2 =	slt.u32 s8, $0xFFFFF086  }
0x1c: {  	p1 =	slt.u32 s9, $0xF7A;
	s5 =	simm.s32 @!p2 $0x0  }
0x1d: {  	s5 =	simm.s32 @p1 $0x1;
	p0 =	seq.s32 s7, s2  }
0x1e: {  	s7 =	smul.u32 @!p0 $0xF7A, s2;
	p2 =	seq.s32 @!p0 s5, $0x0  }
0x1f: {  	s9 =	smul.u32 $0xF7A, s1;
	s8 =	simm.s32 @!p0 $0x1BF5;
	p2 =	por !p2, p0  }
0x20: {  	[sflag:s8] =	ssyncset.s32 @!p0 $0xFFFFF086;
	s6 =	sadd.s32 @!p0 s3, s7;
	s7 =	simm.s32 @!p0 $0x108  }
0x21: {  	s3 =	sadd.s32 s3, s9;
	s6 =	sadd.s32 @!p0 $0x88, s6;
	s7 =	simm.s32 @p2 $0x1082  }
0x22: {  	[simem:s7], [sflag:s8] =	dma.local @!p0 [hbm:s6], $0xF7A  }
0x23: {  	s9 =	sor.u32 $0xD0000000, s2;
	s6 =	simm.s32 $0x108;
	_ =	swait.ge @!p0 [sflag:s8], $0x0  }
0x24: {  	s3 =	sadd.s32 $0x88, s3;
	s6 =	simm.s32 @!p1 $0x1082;
	[sflag:s4] =	ssyncset.s32 $0xFFFFF086  }
0x25: {  	[simem:s6], [sflag:s4] =	dma.local [hbm:s3], $0xF7A  }
0x26: {  	[smem:$0x3FA0] =	sst s1;
	(tag) =	ssettag s2;
	_ =	strace s9  }
0x27: {  	s1 =	sld [smem:$0x3FB0]  }
0x28: {  	s2 =	sld [smem:$0x3FB1]  }
0x29: {  	s4 =	sld [smem:$0x3FB3]  }
0x2a: {  	p0 =	seq.s32 s5, $0x0;
	s5 =	sld [smem:$0x3FB4]  }
0x2b: {  	s6 =	sld [smem:$0x3FB5]  }
0x2c: {  	s7 =	sld [smem:$0x3FB6]  }
0x2d: {  	s3 =	simm.s32 $0x108;
	s8 =	sld [smem:$0x3FB7]  }
0x2e: {  	s3 =	simm.s32 @!p0 $0x1082;
	s9 =	sld [smem:$0x3FB8]  }
0x2f: {  	lr =	sadd.s32 s0, s3;
	s0 =	sld [smem:$0x3FAF]  }
0x30: {  	s3 =	sld [smem:$0x3FB2]  }
0x31: {  	[smem:$0x3FBB] =	sst s10  }
0x32: {  	s10 =	sld [smem:$0x3FB9];
	_ =	sdelay $0x3  }
0x33: {  	p0 =	seq.s32 s10, $0x1;
	s10 =	sld [smem:$0x3FBB];
	_ =	sdelay $0x3  }
0x34: {  	[smem:$0x3FBB] =	sst s10  }
0x35: {  	s10 =	sld [smem:$0x3FBA];
	_ =	sdelay $0x3  }
0x36: {  	p1 =	seq.s32 s10, $0x1;
	s10 =	sld [smem:$0x3FBB];
	_ =	sdelay $0x3  }
0x37: {  	[smem:$0x3FBB] =	sst s10  }
0x38: {  	s10 =	sld [smem:$0x3FBC]  }
0x39: {  	_ = 	snop;
	(pc) =	sbr.ind lr, $3  }
0x3a: {  	_ = 	snop  }
0x3b: {  	_ = 	snop  }
0x3c: {  	p2 =	seq.s32 s10, $0x1;
	s10 =	sld [smem:$0x3FBB]  }
0x3d: {  	_ =	shalt  }
0x3e: {  	_ =	shalt  }
0x3f: {  	_ =	shalt  }
0x40: {  	_ =	shalt  }
0x41: {  	_ =	shalt  }
0x42: {  	_ =	shalt  }
0x43: {  	_ =	shalt  }
0x44: {  	_ =	shalt  }
0x45: {  	_ =	shalt  }
0x46: {  	_ =	shalt  }
0x47: {  	_ =	shalt  }
0x48: {  	_ =	shalt  }
0x49: {  	_ =	shalt  }
0x4a: {  	_ =	shalt  }
0x4b: {  	_ =	shalt  }
0x4c: {  	_ =	shalt  }
0x4d: {  	_ =	shalt  }
0x4e: {  	_ =	shalt  }
0x4f: {  	_ =	shalt  }
0x50: {  	_ =	shalt  }
0x51: {  	_ =	shalt  }
0x52: {  	_ =	shalt  }
0x53: {  	_ =	shalt  }
0x54: {  	_ =	shalt  }
0x55: {  	_ =	shalt  }
0x56: {  	_ =	shalt  }
0x57: {  	_ =	shalt  }
0x58: {  	_ =	shalt  }
0x59: {  	_ =	shalt  }
0x5a: {  	_ =	shalt  }
0x5b: {  	_ =	shalt  }
0x5c: {  	_ =	shalt  }
0x5d: {  	_ =	shalt  }
0x5e: {  	_ =	shalt  }
0x5f: {  	_ =	shalt  }
0x60: {  	_ =	shalt  }
0x61: {  	_ =	shalt  }
0x62: {  	_ =	shalt  }
0x63: {  	_ =	shalt  }
0x64: {  	_ =	shalt  }
0x65: {  	_ =	shalt  }
0x66: {  	_ =	shalt  }
0x67: {  	_ =	shalt  }
0x68: {  	_ =	shalt  }
0x69: {  	_ =	shalt  }
0x6a: {  	_ =	shalt  }
0x6b: {  	_ =	shalt  }
0x6c: {  	_ =	shalt  }
0x6d: {  	_ =	shalt  }
0x6e: {  	_ =	shalt  }
0x6f: {  	_ =	shalt  }
0x70: {  	_ =	shalt  }
0x71: {  	_ =	shalt  }
0x72: {  	_ =	shalt  }
0x73: {  	_ =	shalt  }
0x74: {  	_ =	shalt  }
0x75: {  	_ =	shalt  }
0x76: {  	_ =	shalt  }
0x77: {  	_ =	shalt  }
0x78: {  	_ =	shalt  }
0x79: {  	_ =	shalt  }
0x7a: {  	_ =	shalt  }
0x7b: {  	_ =	shalt  }
0x7c: {  	_ =	shalt  }
0x7d: {  	_ =	shalt  }
0x7e: {  	_ =	shalt  }
0x7f: {  	_ =	shalt  }
0x80: {  	_ =	shalt  }
0x81: {  	_ =	shalt  }
0x82: {  	_ =	shalt  }
0x83: {  	_ =	shalt  }
0x84: {  	_ =	shalt  }
0x85: {  	_ =	shalt  }
0x86: {  	_ =	shalt  }
0x87: {  	_ =	shalt  }
.Lfunc_end0:
.L_simem_size_0:
called_computation_lowered:
.L_overlay_start_0:
0x88: {  	s2 =	sld [smem:$0x3FD9]  }
0x89: {  	s3 =	sld [smem:$0x3FFE];
	_ =	sdelay $0x1  }
0x8a: {  	s1 =	srdreg.scid  }
0x8b: {  	s0 =	sand.u32 $0x1, s1  }
0x8c: {  	s18 =	sshll.u32 s0, $0xA;
	s2 =	sadd.s32 s3, s2  }
0x8d: {  	s2 =	sadd.s32 s2, s18  }
0x8e: {  	[smem:$0x3FC7] =	sst s2  }
0x8f: {  	_ = 	snop  }
0x90: {  	s2 =	sld [smem:$0x3FC9]  }
0x91: {  	s19 =	sld [smem:$0x3FD0];
	(tm) =	ssettm $0x1  }
0x92: {  	s4 =	sld [smem:$0x3FFB];
	_ =	sdelay $0x3  }
0x93: {  	_ =	strace s4  }
0x94: {  	s4 =	sld [smem:$0x3FFC];
	_ =	sdelay $0x3  }
0x95: {  	_ =	strace s4  }
0x96: {  	s4 =	sld [smem:$0x3FFD];
	_ =	sdelay $0x3  }
0x97: {  	_ =	strace s4  }
0x98: {  	_ =	strace $0x8FFFFFFF  }
0x99: {  	s20 =	sld [smem:$0x3FDB];
	_ =	sdelay $0x1  }
0x9a: {  	s5 =	simm.s32 $_scs_section_size  }
0x9b: {  	s6 =	simm.s32 $_size__tile_overlayer_lowered;
	s7 =	simm.s32 $_tile_overlayer_lowered  }
0x9c: {  	s23 =	simm.s32 $0x1BFF;
	s22 =	sshll.u32 s7, $0x1;
	s4 =	sadd.s32 s5, s20  }
0x9d: {  	s8 =	simm.s32 $0x0;
	s21 =	sshll.u32 s6, $0x1;
	s6 =	sadd.s32 s22, s4  }
0x9e: {  	[timem:s8], [sflag:s23] =	dma.local [hbm:s6], s21  }
0x9f: {  	_ =	swait.ge [sflag:s23], s21  }
0xa0: {  	s5 =	ssub.s32 $0x0, s21;
	[sflag:s23] =	ssyncset.done $0x0  }
0xa1: {  	[sflag:s23] =	ssyncadd.s32 s5;
	_ =	sdelay $0x1  }
0xa2: {  	s24 =	simm.s32 $0x1B8B  }
0xa3: {  	_ =	swait.ge [sflag:s24], $0x1  }
0xa4: {  	[sflag:s24] =	ssyncset.done $0x0  }
0xa5: {  	s25 =	simm.s32 $0x1B8E;
	[sflag:s24] =	ssyncadd.s32 $0xFFFFFFFF  }
0xa6: {  	s26 =	simm.s32 $execute0_lowered;
	[smem:$0x3FD2] =	sst s25  }
0xa7: {  	s5 =	sshll.u32 s26, $0x1;
	_ =	strace $0x80000046;
	[dreg:$0x1] =	wrdreg $0xFFFFFFFF  }
0xa8: {  	s28 =	simm.s32 $_size_execute0_lowered;
	s4 =	sadd.s32 s4, s5;
	[dreg:$0x0] =	wrdreg $0x0  }
0xa9: {  	s5 =	sshll.u32 s28, $0x1;
	[dreg:$0x2] =	wrdreg s4  }
0xaa: {  	[dreg:$0x3] =	wrdreg s5  }
0xab: {  	[dreg:$0x4] =	wrdreg $0xC0  }
0xac: {  	_ =	task [dreg:s8], $0x5FFFF  }
0xad: {  	[dreg:$0x1] =	wrdreg $0xFFFFFFFF  }
0xae: {  	[dreg:$0x0] =	wrdreg $0x60  }
0xaf: {  	[dreg:$0x2] =	wrdreg s2  }
0xb0: {  	[dreg:$0x3] =	wrdreg s19  }
0xb1: {  	[dreg:$0x4] =	wrdreg $0x9  }
0xb2: {  	_ =	task.clear_ibuf [dreg:s8], $0x5FFFF;
	_ =	strace $0x90000046  }
0xb3: {  	s29 =	simm.s32 $0x9;
	_ =	strace $0x80000048  }
0xb4: {  	_ =	swait.ge [sflag:s29], $0x1  }
0xb5: {  	[sflag:s29] =	ssyncadd.s32 $0xFFFFFFFF  }
0xb6: {  	_ =	strace $0x90000048  }
0xb7: {  	_ =	sfence  }
0xb8: {  	s30 =	sld [smem:$0x0];
	_ =	sdelay $0x2  }
0xb9: {  	s31 =	sshll.u32 s1, $0xD;
	s1 =	sshrl.u32 s1, $0x2  }
0xba: {  	s3 =	sand.u32 $0x4000, s31;
	s1 =	sadd.s32 s1, s30  }
0xbb: {  	s0 =	sor.u32 s3, s0;
	s1 =	sshll.u32 s1, $0x11  }
0xbc: {  	s0 =	sor.u32 s1, s0  }
0xbd: {  	s0 =	sadd.s32 $0x8F2B, s0  }
0xbe: {  	[sflag:s0] =	ssyncadd.remote.s32 $0x1  }
0xbf: {  	_ =	sfence.sel $0xFFFF  }
0xc0: {  	[dreg:$0x0] =	wrdreg $0xFFFFFFFF;
	(pc) =	sbr.abs _section_cstart, $3  }
0xc1: {  	[dreg:$0x1] =	wrdreg $0xFFFFFFFF  }
0xc2: {  	_ =	task.clear_ibuf [dreg:s8], $0x2FFFF;
	_ =	strace $0x9FFFFFFF  }
0xc3: {  	(tm) =	ssettm $0x7FFFFFFF  }
tec
execute0_lowered:
.L_overlay_start_1:
0x0: {  	(tag) =	ssettag $0x1  }
0x1: {  	s3 =	rddreg [dreg:$0x0]  }
0x2: {  	s4 =	rddreg [dreg:$0x1]  }
0x3: {  	s0 =	rddreg [dreg:$0x2];
	s1 =	simm.s32 $0x0;
	s2 =	srdreg.scid  }
0x4: {  	[smem:$0x7FF] =	sst s1;
	s5 =	sand.u32 $0x1, s2;
	s2 =	stileid.u32  }
0x5: {  	_ =	strace $0x80000047;
	s6 =	ssub.s32 $0x2, s5;
	s9 =	smul.u32 $0xC800, s2  }
.Ltmp0:
0x6: {  	s7 =	sshll.u32 s2, $0xA;
	s8 =	sshll.u32 s5, $0x9;
	(pc) =	sbr.rel .LBB2_1-.Ltmp0, $4  }
0x7: {  	v0 =	vlaneseq.u32;
	s5 =	smul.u32 $0x6400, s5;
	s7 =	sor.u32 s8, s7;
	s30 =	sshrl.u32 s6, $0x1  }
0x8: {  	v1 =	vimm.s32 $0x0;
	v9 =	vimm.s32 $0x1;
	v2 =	vor.u32 $0x10, v0;
	s8 =	simm.s32 $0x1000;
	s6 =	ssub.s32 s6, s30;
	s3 =	sadd.s32 s3, s7  }
0x9: {  	v3 =	vor.u32 $0x20, v0;
	v4 =	vor.u32 $0x30, v0;
	v5 =	vor.u32 $0x40, v0;
	s31 =	sadd.s32 s9, s4;
	s7 =	simm.s32 $0x1;
	s9 =	simm.s32 $0x0  }
0xa: {  	v6 =	vor.u32 $0x50, v0;
	v7 =	vor.u32 $0x60, v0;
	v8 =	vor.u32 $0x70, v0;
	s4 =	smax.u32 s6, $0x1;
	s5 =	sadd.s32 s5, s31;
	s6 =	simm.s32 $0x2  }
.LBB2_8:
0xb: {  	_ =	swait.ge [sflag:s7], $0x1900  }
0xc: {  	[sflag:s7] =	ssyncset.done $0x0  }
0xd: {  	[sflag:s7] =	ssyncadd.s32 $0xFFFFE700  }
0xe: {  	_ =	swait.ge [sflag:s7], $0x1900  }
0xf: {  	[sflag:s7] =	ssyncset.done $0x0  }
0x10: {  	s9 =	sadd.s32 $0x1, s9;
	[sflag:s7] =	ssyncadd.s32 $0xFFFFE700  }
0x11: {  	p0 =	sne.s32 s9, s4;
	_ =	swait.ge [sflag:s7], $0x1900  }
.Ltmp1:
0x12: {  	[sflag:s7] =	ssyncset.done $0x0;
	(pc) =	sbr.rel @!p0 .LBB2_9-.Ltmp1, $4  }
0x13: {  	[sflag:s7] =	ssyncadd.s32 $0xFFFFE700  }
0x14: {  	_ =	swait.ge [sflag:s7], $0x1900  }
0x15: {  	[sflag:s7] =	ssyncset.done $0x0  }
0x16: {  	[sflag:s7] =	ssyncadd.s32 $0xFFFFE700  }
.LBB2_1:
0x17: {  	[tilespmem:s1], [sflag:$0x2] =	stream.linear.gather [hbm4b:s3+s1], $0x1000, $0x38;
	[tilespmem:$0x8000] =	vst v63  }
0x18: {  	_ =	swait.ge [sflag:s6], $0x1000  }
0x19: {  	s10 =	simm.s32 $0x0;
	[sflag:s6] =	ssyncset.done $0x0  }
0x1a: {  	s11 =	sand.u32 $0x7F80, s10;
	[sflag:s6] =	ssyncadd.s32 $0xFFFFF000  }
0x1b: {  	[tilespmem:s11+$0x1070] =	vst v1  }
0x1c: {  	[tilespmem:s11+$0x1000] =	vst v1  }
0x1d: {  	[tilespmem:s11+$0x1010] =	vst v1  }
0x1e: {  	[tilespmem:s11+$0x1020] =	vst v1  }
0x1f: {  	[tilespmem:s11+$0x1030] =	vst v1  }
0x20: {  	s12 =	simm.s32 $0x0;
	s13 =	simm.s32 $0x200;
	[tilespmem:s11+$0x1040] =	vst v1  }
.LBB2_2:
0x21: {  	s10 =	sshrl.u32 s13, $0x2;
	s12 =	sadd.s32 $0x8, s12;
	[tilespmem:s11+$0x1050] =	vst v1  }
0x22: {  	p0 =	slt.u32 s12, $0x6F8;
	[tilespmem:s11+$0x1060] =	vst v1;
	s11 =	sand.u32 $0x7F80, s10  }
0x23: {  	s10 =	simm.s32 $0x0;
	[tilespmem:s11+$0x1070] =	vst v1  }
.Ltmp2:
0x24: {  	[tilespmem:s11+$0x1000] =	vst v1;
	(pc) =	sbr.rel @p0 .LBB2_2-.Ltmp2, $4  }
0x25: {  	[tilespmem:s11+$0x1010] =	vst v1  }
0x26: {  	[tilespmem:s11+$0x1020] =	vst v1  }
0x27: {  	[tilespmem:s11+$0x1030] =	vst v1  }
0x28: {  	s13 =	sadd.s32 $0x200, s13;
	[tilespmem:s11+$0x1040] =	vst v1  }
.Ltmp3:
0x29: {  	(pc) =	sbr.rel .LBB2_4-.Ltmp3, $3  }
0x2a: {  	_ =	sdelay $0x1  }
0x2b: {  	[tilespmem:s11+$0x1050] =	vst v1  }
0x2c: {  	[tilespmem:s11+$0x1060] =	vst v1;
	s11 =	smov.u32 s5;
	s12 =	simm.s32 $0x0  }
.LBB2_6:
0x2d: {  	_ =	swait.ge [sflag:s7], $0x1900  }
0x2e: {  	[sflag:s7] =	ssyncset.done $0x0  }
0x2f: {  	[sflag:s7] =	ssyncadd.s32 $0xFFFFE700  }
0x30: {  	v10 =	vld [tilespmem:s10+$0xFFFFFE00];
	_ =	sdelay $0x3  }
0x31: {  	s14 =	smul.u32 $0x38, s13  }
0x32: {  	v11 =	vshrl.u32 v10, $0x2  }
0x33: {  	v11 =	vadd.s32 s14, v11  }
0x34: {  	v10 =	vshll.u32 v10, $0x5;
	v11 =	vshll.u32 v11, $0x7  }
0x35: {  	v10 =	vand.u32 $0x380, v10;
	v11 =	vand.u32 $0xFFFFFC00, v11  }
0x36: {  	v10 =	vor.u32 v11, v10  }
0x37: {  	v10 =	vor.u32 v0, v10;
	_ =	sdelay $0x4  }
0x38: {  	[tilespmem:v10+s8+$0x0] =	vst.idx.msk $0xffff, v1  }
0x39: {  	v10 =	vld [tilespmem:s10+$0xFFFFFE10];
	_ =	sdelay $0x4  }
0x3a: {  	v11 =	vshrl.u32 v10, $0x2  }
0x3b: {  	v11 =	vadd.s32 s14, v11  }
0x3c: {  	v10 =	vshll.u32 v10, $0x5;
	v11 =	vshll.u32 v11, $0x7  }
0x3d: {  	v10 =	vand.u32 $0x380, v10;
	v11 =	vand.u32 $0xFFFFFC00, v11  }
0x3e: {  	v10 =	vor.u32 v11, v10  }
0x3f: {  	v10 =	vor.u32 v2, v10;
	_ =	sdelay $0x4  }
0x40: {  	[tilespmem:v10+s8+$0x0] =	vst.idx.msk $0xffff, v1  }
0x41: {  	v10 =	vld [tilespmem:s10+$0xFFFFFE20];
	_ =	sdelay $0x4  }
0x42: {  	v11 =	vshrl.u32 v10, $0x2  }
0x43: {  	v11 =	vadd.s32 s14, v11  }
0x44: {  	v10 =	vshll.u32 v10, $0x5;
	v11 =	vshll.u32 v11, $0x7  }
0x45: {  	v10 =	vand.u32 $0x380, v10;
	v11 =	vand.u32 $0xFFFFFC00, v11  }
0x46: {  	v10 =	vor.u32 v11, v10  }
0x47: {  	v10 =	vor.u32 v3, v10;
	_ =	sdelay $0x4  }
0x48: {  	[tilespmem:v10+s8+$0x0] =	vst.idx.msk $0xffff, v1  }
0x49: {  	v10 =	vld [tilespmem:s10+$0xFFFFFE30];
	_ =	sdelay $0x4  }
0x4a: {  	v11 =	vshrl.u32 v10, $0x2  }
0x4b: {  	v11 =	vadd.s32 s14, v11  }
0x4c: {  	v10 =	vshll.u32 v10, $0x5;
	v11 =	vshll.u32 v11, $0x7  }
0x4d: {  	v10 =	vand.u32 $0x380, v10;
	v11 =	vand.u32 $0xFFFFFC00, v11  }
0x4e: {  	v10 =	vor.u32 v11, v10  }
0x4f: {  	v10 =	vor.u32 v4, v10;
	_ =	sdelay $0x4  }
0x50: {  	[tilespmem:v10+s8+$0x0] =	vst.idx.msk $0xffff, v1  }
0x51: {  	v10 =	vld [tilespmem:s10+$0xFFFFFE40];
	_ =	sdelay $0x4  }
0x52: {  	v11 =	vshrl.u32 v10, $0x2  }
0x53: {  	v11 =	vadd.s32 s14, v11  }
0x54: {  	v10 =	vshll.u32 v10, $0x5;
	v11 =	vshll.u32 v11, $0x7  }
0x55: {  	v10 =	vand.u32 $0x380, v10;
	v11 =	vand.u32 $0xFFFFFC00, v11  }
0x56: {  	v10 =	vor.u32 v11, v10  }
0x57: {  	v10 =	vor.u32 v5, v10;
	_ =	sdelay $0x4  }
0x58: {  	[tilespmem:v10+s8+$0x0] =	vst.idx.msk $0xffff, v1  }
0x59: {  	v10 =	vld [tilespmem:s10+$0xFFFFFE50];
	_ =	sdelay $0x4  }
0x5a: {  	v11 =	vshrl.u32 v10, $0x2  }
0x5b: {  	v11 =	vadd.s32 s14, v11  }
0x5c: {  	v10 =	vshll.u32 v10, $0x5;
	v11 =	vshll.u32 v11, $0x7  }
0x5d: {  	v10 =	vand.u32 $0x380, v10;
	v11 =	vand.u32 $0xFFFFFC00, v11  }
0x5e: {  	v10 =	vor.u32 v11, v10  }
0x5f: {  	v10 =	vor.u32 v6, v10;
	_ =	sdelay $0x4  }
0x60: {  	[tilespmem:v10+s8+$0x0] =	vst.idx.msk $0xffff, v1  }
0x61: {  	v10 =	vld [tilespmem:s10+$0xFFFFFE60];
	_ =	sdelay $0x4  }
0x62: {  	v11 =	vshrl.u32 v10, $0x2  }
0x63: {  	v11 =	vadd.s32 s14, v11  }
0x64: {  	v10 =	vshll.u32 v10, $0x5;
	v11 =	vshll.u32 v11, $0x7  }
0x65: {  	v10 =	vand.u32 $0x380, v10;
	v11 =	vand.u32 $0xFFFFFC00, v11  }
0x66: {  	v10 =	vor.u32 v11, v10  }
0x67: {  	v10 =	vor.u32 v7, v10;
	_ =	sdelay $0x4  }
0x68: {  	[tilespmem:v10+s8+$0x0] =	vst.idx.msk $0xffff, v1  }
0x69: {  	v10 =	vld [tilespmem:s10+$0xFFFFFE70];
	_ =	sdelay $0x4  }
0x6a: {  	v11 =	vshrl.u32 v10, $0x2  }
0x6b: {  	v11 =	vadd.s32 s14, v11  }
0x6c: {  	v10 =	vshll.u32 v10, $0x5;
	v11 =	vshll.u32 v11, $0x7  }
0x6d: {  	v10 =	vand.u32 $0x380, v10;
	v11 =	vand.u32 $0xFFFFFC00, v11  }
0x6e: {  	v10 =	vor.u32 v11, v10  }
0x6f: {  	v11 =	vor.u32 v8, v10;
	_ =	sdelay $0x4  }
0x70: {  	v10 =	vmov s14;
	[tilespmem:v11+s8+$0x0] =	vst.idx.msk $0xffff, v1  }
.LBB2_7:
0x71: {  	v11 =	vld [tilespmem:s10+$0x0];
	_ =	sdelay $0x4  }
0x72: {  	v12 =	vshrl.u32 v11, $0x2  }
0x73: {  	v12 =	vadd.s32 v10, v12  }
0x74: {  	v13 =	vshll.u32 v11, $0x5;
	v12 =	vshll.u32 v12, $0x7  }
0x75: {  	v13 =	vand.u32 $0x380, v13;
	v12 =	vand.u32 $0xFFFFFC00, v12  }
0x76: {  	v12 =	vor.u32 v12, v13  }
0x77: {  	v12 =	vor.u32 v0, v12;
	_ =	sdelay $0x1  }
0x78: {  	v11 =	vshll.u32 v11, $0x3  }
0x79: {  	v11 =	vand.u32 $0x18, v11  }
0x7a: {  	v11 =	vshll.u32 v9, v11  }
0x7b: {  	[tilespmem:v12+s8+$0x0] =	vst.idx.msk $0xffff, v11  }
0x7c: {  	v11 =	vld [tilespmem:s10+$0x10];
	_ =	sdelay $0x4  }
0x7d: {  	v50 =	vshrl.u32 v11, $0x2  }
0x7e: {  	v12 =	vadd.s32 v10, v50  }
0x7f: {  	v51 =	vshll.u32 v11, $0x5;
	v12 =	vshll.u32 v12, $0x7  }
0x80: {  	v13 =	vand.u32 $0x380, v51;
	v12 =	vand.u32 $0xFFFFFC00, v12  }
0x81: {  	v12 =	vor.u32 v12, v13  }
0x82: {  	v12 =	vor.u32 v2, v12;
	_ =	sdelay $0x1  }
0x83: {  	v11 =	vshll.u32 v11, $0x3  }
0x84: {  	v11 =	vand.u32 $0x18, v11  }
0x85: {  	v11 =	vshll.u32 v9, v11  }
0x86: {  	[tilespmem:v12+s8+$0x0] =	vst.idx.msk $0xffff, v11  }
0x87: {  	v11 =	vld [tilespmem:s10+$0x20];
	_ =	sdelay $0x4  }
0x88: {  	v52 =	vshrl.u32 v11, $0x2  }
0x89: {  	v12 =	vadd.s32 v10, v52  }
0x8a: {  	v53 =	vshll.u32 v11, $0x5;
	v12 =	vshll.u32 v12, $0x7  }
0x8b: {  	v13 =	vand.u32 $0x380, v53;
	v12 =	vand.u32 $0xFFFFFC00, v12  }
0x8c: {  	v12 =	vor.u32 v12, v13  }
0x8d: {  	v12 =	vor.u32 v3, v12;
	_ =	sdelay $0x1  }
0x8e: {  	v11 =	vshll.u32 v11, $0x3  }
0x8f: {  	v11 =	vand.u32 $0x18, v11  }
0x90: {  	v11 =	vshll.u32 v9, v11  }
0x91: {  	[tilespmem:v12+s8+$0x0] =	vst.idx.msk $0xffff, v11  }
0x92: {  	v11 =	vld [tilespmem:s10+$0x30];
	_ =	sdelay $0x4  }
0x93: {  	v54 =	vshrl.u32 v11, $0x2  }
0x94: {  	v12 =	vadd.s32 v10, v54  }
0x95: {  	v55 =	vshll.u32 v11, $0x5;
	v12 =	vshll.u32 v12, $0x7  }
0x96: {  	v13 =	vand.u32 $0x380, v55;
	v12 =	vand.u32 $0xFFFFFC00, v12  }
0x97: {  	v12 =	vor.u32 v12, v13  }
0x98: {  	v12 =	vor.u32 v4, v12;
	_ =	sdelay $0x1  }
0x99: {  	v11 =	vshll.u32 v11, $0x3  }
0x9a: {  	v11 =	vand.u32 $0x18, v11  }
0x9b: {  	v11 =	vshll.u32 v9, v11  }
0x9c: {  	[tilespmem:v12+s8+$0x0] =	vst.idx.msk $0xffff, v11  }
0x9d: {  	v11 =	vld [tilespmem:s10+$0x40];
	_ =	sdelay $0x4  }
0x9e: {  	v56 =	vshrl.u32 v11, $0x2  }
0x9f: {  	v12 =	vadd.s32 v10, v56  }
0xa0: {  	v57 =	vshll.u32 v11, $0x5;
	v12 =	vshll.u32 v12, $0x7  }
0xa1: {  	v13 =	vand.u32 $0x380, v57;
	v12 =	vand.u32 $0xFFFFFC00, v12  }
0xa2: {  	v12 =	vor.u32 v12, v13  }
0xa3: {  	v12 =	vor.u32 v5, v12;
	_ =	sdelay $0x1  }
0xa4: {  	v11 =	vshll.u32 v11, $0x3  }
0xa5: {  	v11 =	vand.u32 $0x18, v11  }
0xa6: {  	v11 =	vshll.u32 v9, v11  }
0xa7: {  	[tilespmem:v12+s8+$0x0] =	vst.idx.msk $0xffff, v11  }
0xa8: {  	v11 =	vld [tilespmem:s10+$0x50];
	_ =	sdelay $0x4  }
0xa9: {  	v58 =	vshrl.u32 v11, $0x2  }
0xaa: {  	v12 =	vadd.s32 v10, v58  }
0xab: {  	v59 =	vshll.u32 v11, $0x5;
	v12 =	vshll.u32 v12, $0x7  }
0xac: {  	v13 =	vand.u32 $0x380, v59;
	v12 =	vand.u32 $0xFFFFFC00, v12  }
0xad: {  	v12 =	vor.u32 v12, v13  }
0xae: {  	v12 =	vor.u32 v6, v12;
	_ =	sdelay $0x1  }
0xaf: {  	v11 =	vshll.u32 v11, $0x3  }
0xb0: {  	v11 =	vand.u32 $0x18, v11  }
0xb1: {  	v11 =	vshll.u32 v9, v11  }
0xb2: {  	[tilespmem:v12+s8+$0x0] =	vst.idx.msk $0xffff, v11  }
0xb3: {  	v11 =	vld [tilespmem:s10+$0x60];
	_ =	sdelay $0x4  }
0xb4: {  	v60 =	vshrl.u32 v11, $0x2  }
0xb5: {  	v12 =	vadd.s32 v10, v60  }
0xb6: {  	v61 =	vshll.u32 v11, $0x5;
	v12 =	vshll.u32 v12, $0x7  }
0xb7: {  	v13 =	vand.u32 $0x380, v61;
	v12 =	vand.u32 $0xFFFFFC00, v12  }
0xb8: {  	v12 =	vor.u32 v12, v13  }
0xb9: {  	v12 =	vor.u32 v7, v12;
	_ =	sdelay $0x1  }
0xba: {  	v11 =	vshll.u32 v11, $0x3  }
0xbb: {  	v11 =	vand.u32 $0x18, v11  }
0xbc: {  	v11 =	vshll.u32 v9, v11  }
0xbd: {  	[tilespmem:v12+s8+$0x0] =	vst.idx.msk $0xffff, v11  }
0xbe: {  	v11 =	vld [tilespmem:s10+$0x70];
	_ =	sdelay $0x4  }
0xbf: {  	v62 =	vshrl.u32 v11, $0x2  }
0xc0: {  	v10 =	vadd.s32 v10, v62  }
0xc1: {  	v63 =	vshll.u32 v11, $0x5;
	v10 =	vshll.u32 v10, $0x7  }
0xc2: {  	v12 =	vand.u32 $0x380, v63;
	v10 =	vand.u32 $0xFFFFFC00, v10  }
0xc3: {  	v10 =	vor.u32 v10, v12  }
0xc4: {  	v10 =	vor.u32 v8, v10  }
0xc5: {  	s12 =	sadd.s32 $0x1, s12  }
0xc6: {  	s13 =	smul.u32 $0x7000, s13;
	p0 =	sne.s32 s12, $0x20;
	v11 =	vshll.u32 v11, $0x3  }
.Ltmp4:
0xc7: {  	v11 =	vand.u32 $0x18, v11;
	(pc) =	sbr.rel @!p0 .LBB2_8-.Ltmp4, $4  }
0xc8: {  	s13 =	sshrl.u32 s13, $0x2;
	v11 =	vshll.u32 v9, v11  }
0xc9: {  	s13 =	sadd.s32 $0x1000, s13;
	[tilespmem:v10+s8+$0x0] =	vst.idx.msk $0xffff, v11  }
0xca: {  	[hbm4b:s11+s1] =	stream.linear.scatter [tilespmem:s13], [sflag:$0x1], $0x1900, $0x38;
	[tilespmem:$0x8000] =	vst v63  }
0xcb: {  	s10 =	sadd.s32 $0x80, s10;
	s11 =	sadd.s32 $0x320, s11  }
.LBB2_4:
0xcc: {  	p0 =	sgt.u32 s12, $0x3  }
.Ltmp5:
0xcd: {  	_ = 	snop;
	(pc) =	sbr.rel @p0 .LBB2_6-.Ltmp5, $2  }
0xce: {  	_ =	sdelay $0x2  }
0xcf: {  	s13 =	sand.u32 $0x3, s12  }
.Ltmp6:
0xd0: {  	(pc) =	sbr.rel .LBB2_7-.Ltmp6, $3  }
0xd1: {  	_ = 	snop  }
0xd2: {  	s14 =	smul.u32 $0x38, s13;
	_ =	sdelay $0x1  }
0xd3: {  	v10 =	vmov s14  }
.LBB2_9:
0xd4: {  	_ =	sfence.sel $0x180000  }
0xd5: {  	[bflag:$0x0] =	sbarrier.arrive $0xFFFF  }
0xd6: {  	p0 =	sne.s32 s2, $0x0;
	_ =	strace $0x90000047  }
0xd7: {  	s0 =	sadd.s32 @!p0 $0x100000, s0;
	[bflag:$0x2] =	sbarrier.arrive $0xFFFF  }
0xd8: {  	[sflag:s0] =	ssyncadd.tile.s32 @!p0 $0x1;
	_ =	shalt  }
.Lfunc_end2:
_tile_overlayer_lowered:
.L_overlay_start_2:
0xd9: {  	(tag) =	ssettag $0x2  }
0xda: {  	s0 =	rddreg [dreg:$0x0];
	s2 =	stileid.u32  }
0xdb: {  	s1 =	rddreg [dreg:$0x1];
	p0 =	sne.s32 s2, $0x0  }
0xdc: {  	s3 =	rddreg [dreg:$0x2];
	[bflag:$0x3] =	sbarrier.arrive $0xFFFF;
	s2 =	simm.s32 @!p0 $0x1C02  }
0xdd: {  	[timem:s3], [sflag:s2] =	dma.local @!p0 [hbm:s0], s1  }
0xde: {  	s0 =	simm.s32 @!p0 $0x2  }
0xdf: {  	_ =	swait.ge @!p0 [sflag:s0], s1  }
0xe0: {  	s1 =	ssub.s32 @!p0 $0x0, s1;
	[sflag:s0] =	ssyncset.done @!p0 $0x0  }
0xe1: {  	[sflag:s0] =	ssyncadd.s32 @!p0 s1  }
0xe2: {  	[bflag:$0x3] =	sbarrier.arrive $0xFFFF  }
0xe3: {  	_ =	shalt  }

</sc_bundles>
